<compile_context>
chip_gen: v7x
topology: tpu7x:2x2x1
jax: 0.10.2.dev20260603
libtpu: 0.0.44.dev20260713+nightly
codegen_flags: <defaults>
</compile_context>

<pallas_src>
import functools

import jax
import jax.numpy as jnp
from jax import lax
from jax.experimental import pallas as pl
from jax.experimental.pallas import tpu as pltpu
from jax.experimental.pallas import tpu_sc as plsc

N = 10000
E = 160000
D = 256
H = D // 2
NC = 2
NS = 16
CH = 128
EP = 163840
NCHUNKP = EP // CH
NK = NCHUNKP // (NC * NS)
NKA = NCHUNKP // NS
ROWS_A = 640
ROWS_LAST = N - (NS - 1) * ROWS_A
BLK = 2000


def _copy_rows_split(src, dst, s):
    r0 = s * ROWS_A

    @pl.when(s < NS - 1)
    def _():
        pltpu.sync_copy(src.at[pl.ds(r0, ROWS_A)], dst.at[pl.ds(r0, ROWS_A)])

    @pl.when(s == NS - 1)
    def _():
        pltpu.sync_copy(src.at[pl.ds(r0, ROWS_LAST)],
                        dst.at[pl.ds(r0, ROWS_LAST)])

@functools.cache
def _sc_mesh():
    return plsc.VectorSubcoreMesh(core_axis_name="c", subcore_axis_name="s",
                                  num_cores=NC, num_subcores=NS)


def _mm_body(x_ref, w_ref, o_ref):
    o_ref[...] = jnp.dot(x_ref[...], w_ref[...],
                         preferred_element_type=jnp.float32,
                         precision=lax.Precision.HIGHEST)


def _mm(x, W):
    return pl.pallas_call(
        _mm_body,
        grid=(N // BLK,),
        in_specs=[
            pl.BlockSpec((BLK, D), lambda i: (i, 0)),
            pl.BlockSpec((D, D), lambda i: (0, 0)),
        ],
        out_specs=pl.BlockSpec((BLK, D), lambda i: (i, 0)),
        out_shape=jax.ShapeDtypeStruct((N, D), jnp.float32),
    )(x, W)


def _deg_body(ei_hbm, ones_hbm, zeros_hbm, degp_hbm, didx, ones_v, acc_sh,
              ss0, ss1):
    c = lax.axis_index("c")
    s = lax.axis_index("s")
    _copy_rows_split(zeros_hbm, acc_sh, s)
    pltpu.sync_copy(ones_hbm, ones_v)
    base = (c * NS + s) * NK
    pltpu.sync_copy(ei_hbm.at[1, pl.ds(base, NK)], didx)
    plsc.subcore_barrier()

    @pl.loop(0, NK, step=2)
    def _(m):
        c0 = pltpu.async_copy(ones_v, acc_sh.at[didx.at[m]], ss0, add=True)
        c1 = pltpu.async_copy(ones_v, acc_sh.at[didx.at[m + 1]], ss1, add=True)
        c0.wait()
        c1.wait()

    plsc.subcore_barrier()
    _copy_rows_split(acc_sh, degp_hbm.at[c], s)


@functools.cache
def _deg():
    return pl.kernel(
        _deg_body,
        out_type=jax.ShapeDtypeStruct((NC, N, H), jnp.float32),
        mesh=_sc_mesh(),
        scratch_types=[
            pltpu.VMEM((NK, CH), jnp.int32),
            pltpu.VMEM((CH, H), jnp.float32),
            pltpu.VMEM_SHARED((N + 8, H), jnp.float32),
            pltpu.SemaphoreType.DMA,
            pltpu.SemaphoreType.DMA,
        ],
    )


def _scale_body(xw_ref, degp_ref, z_ref):
    deg = degp_ref[0, :, 0:1] + degp_ref[1, :, 0:1] + 1.0
    z = xw_ref[...] * lax.rsqrt(deg)
    z_ref[0] = z[:, :H]
    z_ref[1] = z[:, H:]


def _scale(xw, degp):
    return pl.pallas_call(
        _scale_body,
        grid=(N // BLK,),
        in_specs=[
            pl.BlockSpec((BLK, D), lambda i: (i, 0)),
            pl.BlockSpec((NC, BLK, H), lambda i: (0, i, 0)),
        ],
        out_specs=pl.BlockSpec((NC, BLK, H), lambda i: (0, i, 0)),
        out_shape=jax.ShapeDtypeStruct((NC, N, H), jnp.float32),
    )(xw, degp)


def _agg_body(z_hbm, ei_hbm, agg_hbm, idxall, rows0, rows1, acc_sh,
              gs0, gs1, ss0, ss1):
    c = lax.axis_index("c")
    s = lax.axis_index("s")
    _copy_rows_split(z_hbm.at[c], acc_sh, s)
    plsc.subcore_barrier()
    zc = z_hbm.at[c]

    for h in range(2):
        nkh = NKA // 2
        pltpu.sync_copy(ei_hbm.at[:, pl.ds(s * NKA + h * nkh, nkh)], idxall)

        @pl.loop(0, nkh, step=2)
        def _(m):
            d0 = pltpu.async_copy(zc.at[idxall.at[0, m]], rows0, gs0)
            d1 = pltpu.async_copy(zc.at[idxall.at[0, m + 1]], rows1, gs1)
            d0.wait()
            c0 = pltpu.async_copy(rows0, acc_sh.at[idxall.at[1, m]], ss0,
                                  add=True)
            d1.wait()
            c1 = pltpu.async_copy(rows1, acc_sh.at[idxall.at[1, m + 1]], ss1,
                                  add=True)
            c0.wait()
            c1.wait()

    plsc.subcore_barrier()
    _copy_rows_split(acc_sh, agg_hbm.at[c], s)


@functools.cache
def _agg():
    return pl.kernel(
        _agg_body,
        out_type=jax.ShapeDtypeStruct((NC, N, H), jnp.float32),
        mesh=_sc_mesh(),
        scratch_types=[
            pltpu.VMEM((2, NKA // 2, CH), jnp.int32),
            pltpu.VMEM((CH, H), jnp.float32),
            pltpu.VMEM((CH, H), jnp.float32),
            pltpu.VMEM_SHARED((N + 8, H), jnp.float32),
            pltpu.SemaphoreType.DMA,
            pltpu.SemaphoreType.DMA,
            pltpu.SemaphoreType.DMA,
            pltpu.SemaphoreType.DMA,
        ],
    )


def _fin_body(agg_ref, degp_ref, b_ref, o_ref):
    deg = degp_ref[0, :, 0:1] + degp_ref[1, :, 0:1] + 1.0
    a = jnp.concatenate([agg_ref[0], agg_ref[1]], axis=1)
    out = a * lax.rsqrt(deg) + b_ref[...]
    m = jnp.max(out, axis=1, keepdims=True)
    e = jnp.exp(out - m)
    lse = jnp.log(jnp.sum(e, axis=1, keepdims=True))
    o_ref[...] = out - m - lse


def _fin(agg, degp, b):
    return pl.pallas_call(
        _fin_body,
        grid=(N // BLK,),
        in_specs=[
            pl.BlockSpec((NC, BLK, H), lambda i: (0, i, 0)),
            pl.BlockSpec((NC, BLK, H), lambda i: (0, i, 0)),
            pl.BlockSpec((1, D), lambda i: (0, 0)),
        ],
        out_specs=pl.BlockSpec((BLK, D), lambda i: (i, 0)),
        out_shape=jax.ShapeDtypeStruct((N, D), jnp.float32),
    )(agg, degp, b)


def kernel(x, edge_index, W, b):
    ei32 = edge_index.astype(jnp.int32)
    npad = EP - E
    pad = jnp.stack([jnp.zeros((npad,), jnp.int32),
                     jnp.full((npad,), N, jnp.int32)])
    eip = jnp.concatenate([ei32, pad], axis=1).reshape(2, NCHUNKP, CH)
    ones_h = jnp.ones((CH, H), jnp.float32)
    zeros_h = jnp.zeros((N, H), jnp.float32)

    xw = _mm(x, W)
    degp = _deg()(eip, ones_h, zeros_h)
    z = _scale(xw, degp)
    agg = _agg()(z, eip)
    return _fin(agg, degp, b.reshape(1, D))

# --- scband reference (transcript-rebuilt; emitter-appended) ---
"""Pipeline reference for scband-simple-model01-5755256176694 (READ-ONLY COPY).

The authoritative reference and input builder live on the scoring server;
editing this copy changes nothing except your own understanding.
"""

import jax, jax.numpy as jnp
import numpy as np

N_NODES = 10000
N_EDGES = 160000
IN_DIM = 256
OUT_DIM = 256


def setup_inputs(seed: int = 0) -> dict:
    key = jax.random.key(seed)
    k1, k2, k3, k4 = jax.random.split(key, 4)
    x = jax.random.normal(k1, (N_NODES, IN_DIM), dtype=jnp.float32)
    edge_index = jax.random.randint(k2, (2, N_EDGES), 0, N_NODES, dtype=jnp.int64)
    # GCNConv learned parameters (glorot init for W, zeros for bias)
    limit = float(np.sqrt(6.0 / (IN_DIM + OUT_DIM)))
    W = jax.random.uniform(k3, (IN_DIM, OUT_DIM), dtype=jnp.float32, minval=-limit, maxval=limit)
    b = jnp.zeros((OUT_DIM,), dtype=jnp.float32)
    return {"x": x, "edge_index": edge_index, "W": W, "b": b}


def reference(x, edge_index, W, b):
    # GCNConv (PyG semantics): add self-loops, symmetric normalization,
    # x' = D^{-1/2} (A + I) D^{-1/2} X W + b, then F.log_softmax over features.
    n = x.shape[0]
    xw = x @ W  # [N, OUT_DIM]
    self_loops = jnp.arange(n, dtype=edge_index.dtype)
    src = jnp.concatenate([edge_index[0], self_loops])
    dst = jnp.concatenate([edge_index[1], self_loops])
    ones = jnp.ones(src.shape[0], dtype=xw.dtype)
    deg = jax.ops.segment_sum(ones, dst, num_segments=n)  # in-degree incl. self loops
    deg_inv_sqrt = jnp.where(deg > 0, jax.lax.rsqrt(deg), 0.0)
    norm = deg_inv_sqrt[src] * deg_inv_sqrt[dst]  # [E+N]
    msg = xw[src] * norm[:, None]                 # gather + scale
    out = jax.ops.segment_sum(msg, dst, num_segments=n)  # scatter-add
    out = out + b
    y_hat = jax.nn.log_softmax(out, axis=-1)
    return y_hat

if __name__ == "__main__":
    import jax
    _d = setup_inputs()
    print(jax.jit(kernel)(*tuple(_d.values())))

</pallas_src>

<mosaic_0001>
#map = affine_map<(d0, d1) -> (0, 0, 0)>
#map1 = affine_map<(d0, d1) -> (0, 0)>
module attributes {stable_mosaic.version = 14 : i64} {
  func.func @_deg_body(%arg0: i32, %arg1: i32, %arg2: memref<2x1280x128xi32, #tpu.memory_space<hbm>>, %arg3: memref<128x128xf32, #tpu.memory_space<hbm>>, %arg4: memref<10000x128xf32, #tpu.memory_space<hbm>>, %arg5: memref<2x10000x128xf32, #tpu.memory_space<hbm>>, %arg6: memref<40x128xi32, #tpu.memory_space<vmem>>, %arg7: memref<128x128xf32, #tpu.memory_space<vmem>>, %arg8: memref<10008x128xf32, #tpu.memory_space<vmem_shared>>, %arg9: memref<!tpu.dma_semaphore, #tpu.memory_space<semaphore_mem>>, %arg10: memref<!tpu.dma_semaphore, #tpu.memory_space<semaphore_mem>>) attributes {dimension_semantics = [#tpu.dimension_semantics<core_parallel>, #tpu.dimension_semantics<subcore_parallel>], iteration_bounds = array<i64: 2, 16>, scalar_prefetch = 0 : i64, scratch_operands = 5 : i64, tpu.core_type = #tpu.core_type<sc_vector_subcore>, window_params = [{transform_indices = #map}, {transform_indices = #map1}, {transform_indices = #map1}, {transform_indices = #map}]} {
    %mul3A = arith.constant 640 : i32
    %mul3A_0 = arith.muli %arg1, %mul3A : i32
    %lt3A = arith.constant 15 : i32
    %lt3A_1 = arith.cmpi slt, %arg1, %lt3A : i32
    %convert_element_type3A = arith.extui %lt3A_1 : i1 to i32
    %cond3A = arith.constant 0 : i32
    %cond3A_2 = arith.cmpi ne, %convert_element_type3A, %cond3A : i32
    scf.if %cond3A_2 {
      "tpu.region"() ({
        %run_scoped3A_28 = tpu.sem_alloc : memref<!tpu.dma_semaphore, #tpu.memory_space<semaphore_mem>>
        %dma_start3A = arith.constant 0 : i32
        %dma_start3A_29 = tpu.memref_slice %arg8[%mul3A_0, %dma_start3A] : memref<10008x128xf32, #tpu.memory_space<vmem_shared>> -> memref<640x128xf32, #tpu.memory_space<vmem_shared>>
        %dma_start3A_30 = arith.constant 0 : i32
        %dma_start3A_31 = tpu.memref_slice %arg4[%mul3A_0, %dma_start3A_30] : memref<10000x128xf32, #tpu.memory_space<hbm>> -> memref<640x128xf32, #tpu.memory_space<hbm>>
        tpu.enqueue_dma source(%dma_start3A_31 : memref<640x128xf32, #tpu.memory_space<hbm>>) target(%dma_start3A_29 : memref<640x128xf32, #tpu.memory_space<vmem_shared>>) target_semaphore(%run_scoped3A_28 : memref<!tpu.dma_semaphore, #tpu.memory_space<semaphore_mem>>)
        %dma_wait3A = arith.constant 0 : i32
        %dma_wait3A_32 = tpu.memref_slice %arg8[%mul3A_0, %dma_wait3A] : memref<10008x128xf32, #tpu.memory_space<vmem_shared>> -> memref<640x128xf32, #tpu.memory_space<vmem_shared>>
        %dma_wait3A_33 = arith.constant 0 : i32
        %dma_wait3A_34 = tpu.memref_slice %arg4[%mul3A_0, %dma_wait3A_33] : memref<10000x128xf32, #tpu.memory_space<hbm>> -> memref<640x128xf32, #tpu.memory_space<hbm>>
        tpu.wait_dma2 semaphore(%run_scoped3A_28 : memref<!tpu.dma_semaphore, #tpu.memory_space<semaphore_mem>>) src(%dma_wait3A_34 : memref<640x128xf32, #tpu.memory_space<hbm>>) dst(%dma_wait3A_32 : memref<640x128xf32, #tpu.memory_space<vmem_shared>>)
        tpu.yield
      }) : () -> ()
    } else {
    }
    %eq3A = arith.constant 15 : i32
    %eq3A_3 = arith.cmpi eq, %arg1, %eq3A : i32
    %convert_element_type3A_4 = arith.extui %eq3A_3 : i1 to i32
    %cond3A_5 = arith.constant 0 : i32
    %cond3A_6 = arith.cmpi ne, %convert_element_type3A_4, %cond3A_5 : i32
    scf.if %cond3A_6 {
      "tpu.region"() ({
        %run_scoped3A_28 = tpu.sem_alloc : memref<!tpu.dma_semaphore, #tpu.memory_space<semaphore_mem>>
        %dma_start3A = arith.constant 0 : i32
        %dma_start3A_29 = tpu.memref_slice %arg8[%mul3A_0, %dma_start3A] : memref<10008x128xf32, #tpu.memory_space<vmem_shared>> -> memref<400x128xf32, #tpu.memory_space<vmem_shared>>
        %dma_start3A_30 = arith.constant 0 : i32
        %dma_start3A_31 = tpu.memref_slice %arg4[%mul3A_0, %dma_start3A_30] : memref<10000x128xf32, #tpu.memory_space<hbm>> -> memref<400x128xf32, #tpu.memory_space<hbm>>
        tpu.enqueue_dma source(%dma_start3A_31 : memref<400x128xf32, #tpu.memory_space<hbm>>) target(%dma_start3A_29 : memref<400x128xf32, #tpu.memory_space<vmem_shared>>) target_semaphore(%run_scoped3A_28 : memref<!tpu.dma_semaphore, #tpu.memory_space<semaphore_mem>>)
        %dma_wait3A = arith.constant 0 : i32
        %dma_wait3A_32 = tpu.memref_slice %arg8[%mul3A_0, %dma_wait3A] : memref<10008x128xf32, #tpu.memory_space<vmem_shared>> -> memref<400x128xf32, #tpu.memory_space<vmem_shared>>
        %dma_wait3A_33 = arith.constant 0 : i32
        %dma_wait3A_34 = tpu.memref_slice %arg4[%mul3A_0, %dma_wait3A_33] : memref<10000x128xf32, #tpu.memory_space<hbm>> -> memref<400x128xf32, #tpu.memory_space<hbm>>
        tpu.wait_dma2 semaphore(%run_scoped3A_28 : memref<!tpu.dma_semaphore, #tpu.memory_space<semaphore_mem>>) src(%dma_wait3A_34 : memref<400x128xf32, #tpu.memory_space<hbm>>) dst(%dma_wait3A_32 : memref<400x128xf32, #tpu.memory_space<vmem_shared>>)
        tpu.yield
      }) : () -> ()
    } else {
    }
    "tpu.region"() ({
      %run_scoped3A_28 = tpu.sem_alloc : memref<!tpu.dma_semaphore, #tpu.memory_space<semaphore_mem>>
      tpu.enqueue_dma source(%arg3 : memref<128x128xf32, #tpu.memory_space<hbm>>) target(%arg7 : memref<128x128xf32, #tpu.memory_space<vmem>>) target_semaphore(%run_scoped3A_28 : memref<!tpu.dma_semaphore, #tpu.memory_space<semaphore_mem>>)
      tpu.wait_dma2 semaphore(%run_scoped3A_28 : memref<!tpu.dma_semaphore, #tpu.memory_space<semaphore_mem>>) src(%arg3 : memref<128x128xf32, #tpu.memory_space<hbm>>) dst(%arg7 : memref<128x128xf32, #tpu.memory_space<vmem>>)
      tpu.yield
    }) : () -> ()
    %mul3A_7 = arith.constant 16 : i32
    %mul3A_8 = arith.muli %arg0, %mul3A_7 : i32
    %add3A = arith.addi %mul3A_8, %arg1 : i32
    %mul3A_9 = arith.constant 40 : i32
    %mul3A_10 = arith.muli %add3A, %mul3A_9 : i32
    %run_scoped3A = arith.constant 1 : i32
    "tpu.region"() ({
      %run_scoped3A_28 = tpu.sem_alloc : memref<!tpu.dma_semaphore, #tpu.memory_space<semaphore_mem>>
      %dma_start3A = arith.constant 0 : i32
      %dma_start3A_29 = tpu.memref_slice %arg2[%run_scoped3A, %mul3A_10, %dma_start3A] : memref<2x1280x128xi32, #tpu.memory_space<hbm>> -> memref<1x40x128xi32, #tpu.memory_space<hbm>>
      %dma_start3A_30 = tpu.memref_squeeze %dma_start3A_29 : memref<1x40x128xi32, #tpu.memory_space<hbm>> -> memref<40x128xi32, #tpu.memory_space<hbm>>
      %dma_start3A_31 = arith.constant 0 : i32
      %dma_start3A_32 = tpu.memref_slice %arg2[%run_scoped3A, %mul3A_10, %dma_start3A_31] : memref<2x1280x128xi32, #tpu.memory_space<hbm>> -> memref<1x40x128xi32, #tpu.memory_space<hbm>>
      %dma_start3A_33 = tpu.memref_squeeze %dma_start3A_32 : memref<1x40x128xi32, #tpu.memory_space<hbm>> -> memref<40x128xi32, #tpu.memory_space<hbm>>
      tpu.enqueue_dma source(%dma_start3A_33 : memref<40x128xi32, #tpu.memory_space<hbm>>) target(%arg6 : memref<40x128xi32, #tpu.memory_space<vmem>>) target_semaphore(%run_scoped3A_28 : memref<!tpu.dma_semaphore, #tpu.memory_space<semaphore_mem>>)
      %dma_wait3A = arith.constant 0 : i32
      %dma_wait3A_34 = tpu.memref_slice %arg2[%run_scoped3A, %mul3A_10, %dma_wait3A] : memref<2x1280x128xi32, #tpu.memory_space<hbm>> -> memref<1x40x128xi32, #tpu.memory_space<hbm>>
      %dma_wait3A_35 = tpu.memref_squeeze %dma_wait3A_34 : memref<1x40x128xi32, #tpu.memory_space<hbm>> -> memref<40x128xi32, #tpu.memory_space<hbm>>
      %dma_wait3A_36 = arith.constant 0 : i32
      %dma_wait3A_37 = tpu.memref_slice %arg2[%run_scoped3A, %mul3A_10, %dma_wait3A_36] : memref<2x1280x128xi32, #tpu.memory_space<hbm>> -> memref<1x40x128xi32, #tpu.memory_space<hbm>>
      %dma_wait3A_38 = tpu.memref_squeeze %dma_wait3A_37 : memref<1x40x128xi32, #tpu.memory_space<hbm>> -> memref<40x128xi32, #tpu.memory_space<hbm>>
      tpu.wait_dma2 semaphore(%run_scoped3A_28 : memref<!tpu.dma_semaphore, #tpu.memory_space<semaphore_mem>>) src(%dma_wait3A_38 : memref<40x128xi32, #tpu.memory_space<hbm>>) dst(%arg6 : memref<40x128xi32, #tpu.memory_space<vmem>>)
      tpu.yield
    }) : () -> ()
    %barrier3A = arith.constant 0 : index
    tpu.barrier barrier_id(%barrier3A)
    %scan3A = arith.constant 0 : i32
    %scan3A_11 = arith.constant 20 : i32
    %scan3A_12 = arith.addi %scan3A, %scan3A_11 : i32
    %scan3A_13 = arith.constant 1 : i32
    scf.for %scan3A_28 = %scan3A to %scan3A_12 step %scan3A_13  : i32 {
      %mul3A_29 = arith.constant 2 : i32
      %mul3A_30 = arith.muli %scan3A_28, %mul3A_29 : i32
      %add3A_31 = arith.constant 0 : i32
      %add3A_32 = arith.addi %add3A_31, %mul3A_30 : i32
      %dma_start3A = arith.constant 0 : i32
      %dma_start3A_33 = tpu.memref_slice %arg6[%add3A_32, %dma_start3A] : memref<40x128xi32, #tpu.memory_space<vmem>> -> memref<1x128xi32, #tpu.memory_space<vmem>>
      %dma_start3A_34 = tpu.memref_squeeze %dma_start3A_33 : memref<1x128xi32, #tpu.memory_space<vmem>> -> memref<128xi32, #tpu.memory_space<vmem>>
      %dma_start3A_35 = arith.constant 0 : i32
      %dma_start3A_36 = arith.constant 0 : i32
      %dma_start3A_37 = tpu.memref_slice %arg8[%dma_start3A_35, %dma_start3A_36] : memref<10008x128xf32, #tpu.memory_space<vmem_shared>> -> memref<10008x128xf32, #tpu.memory_space<vmem_shared>>
      tpu.enqueue_indirect_dma source(%arg7 : memref<128x128xf32, #tpu.memory_space<vmem>>) target(%dma_start3A_37 : memref<10008x128xf32, #tpu.memory_space<vmem_shared>>) offsets(%dma_start3A_34 : memref<128xi32, #tpu.memory_space<vmem>>) semaphore(%arg9 : memref<!tpu.dma_semaphore, #tpu.memory_space<semaphore_mem>>) {add = true}
      %add3A_38 = arith.constant 1 : i32
      %add3A_39 = arith.addi %add3A_32, %add3A_38 : i32
      %dma_start3A_40 = arith.constant 0 : i32
      %dma_start3A_41 = tpu.memref_slice %arg6[%add3A_39, %dma_start3A_40] : memref<40x128xi32, #tpu.memory_space<vmem>> -> memref<1x128xi32, #tpu.memory_space<vmem>>
      %dma_start3A_42 = tpu.memref_squeeze %dma_start3A_41 : memref<1x128xi32, #tpu.memory_space<vmem>> -> memref<128xi32, #tpu.memory_space<vmem>>
      %dma_start3A_43 = arith.constant 0 : i32
      %dma_start3A_44 = arith.constant 0 : i32
      %dma_start3A_45 = tpu.memref_slice %arg8[%dma_start3A_43, %dma_start3A_44] : memref<10008x128xf32, #tpu.memory_space<vmem_shared>> -> memref<10008x128xf32, #tpu.memory_space<vmem_shared>>
      tpu.enqueue_indirect_dma source(%arg7 : memref<128x128xf32, #tpu.memory_space<vmem>>) target(%dma_start3A_45 : memref<10008x128xf32, #tpu.memory_space<vmem_shared>>) offsets(%dma_start3A_42 : memref<128xi32, #tpu.memory_space<vmem>>) semaphore(%arg10 : memref<!tpu.dma_semaphore, #tpu.memory_space<semaphore_mem>>) {add = true}
      %dma_wait3A = arith.constant 0 : i32
      %dma_wait3A_46 = tpu.memref_slice %arg6[%add3A_32, %dma_wait3A] : memref<40x128xi32, #tpu.memory_space<vmem>> -> memref<1x128xi32, #tpu.memory_space<vmem>>
      %dma_wait3A_47 = tpu.memref_squeeze %dma_wait3A_46 : memref<1x128xi32, #tpu.memory_space<vmem>> -> memref<128xi32, #tpu.memory_space<vmem>>
      %dma_wait3A_48 = arith.constant 0 : i32
      %dma_wait3A_49 = arith.constant 0 : i32
      %dma_wait3A_50 = tpu.memref_slice %arg8[%dma_wait3A_48, %dma_wait3A_49] : memref<10008x128xf32, #tpu.memory_space<vmem_shared>> -> memref<10008x128xf32, #tpu.memory_space<vmem_shared>>
      tpu.wait_indirect_dma semaphore(%arg9 : memref<!tpu.dma_semaphore, #tpu.memory_space<semaphore_mem>>) src(%arg7 : memref<128x128xf32, #tpu.memory_space<vmem>>) dst(%dma_wait3A_50 : memref<10008x128xf32, #tpu.memory_space<vmem_shared>>)
      %dma_wait3A_51 = arith.constant 0 : i32
      %dma_wait3A_52 = tpu.memref_slice %arg6[%add3A_39, %dma_wait3A_51] : memref<40x128xi32, #tpu.memory_space<vmem>> -> memref<1x128xi32, #tpu.memory_space<vmem>>
      %dma_wait3A_53 = tpu.memref_squeeze %dma_wait3A_52 : memref<1x128xi32, #tpu.memory_space<vmem>> -> memref<128xi32, #tpu.memory_space<vmem>>
      %dma_wait3A_54 = arith.constant 0 : i32
      %dma_wait3A_55 = arith.constant 0 : i32
      %dma_wait3A_56 = tpu.memref_slice %arg8[%dma_wait3A_54, %dma_wait3A_55] : memref<10008x128xf32, #tpu.memory_space<vmem_shared>> -> memref<10008x128xf32, #tpu.memory_space<vmem_shared>>
      tpu.wait_indirect_dma semaphore(%arg10 : memref<!tpu.dma_semaphore, #tpu.memory_space<semaphore_mem>>) src(%arg7 : memref<128x128xf32, #tpu.memory_space<vmem>>) dst(%dma_wait3A_56 : memref<10008x128xf32, #tpu.memory_space<vmem_shared>>)
    }
    %scan3A_14 = arith.constant 20 : i32
    %barrier3A_15 = arith.constant 0 : index
    tpu.barrier barrier_id(%barrier3A_15)
    %mul3A_16 = arith.constant 640 : i32
    %mul3A_17 = arith.muli %arg1, %mul3A_16 : i32
    %lt3A_18 = arith.constant 15 : i32
    %lt3A_19 = arith.cmpi slt, %arg1, %lt3A_18 : i32
    %convert_element_type3A_20 = arith.extui %lt3A_19 : i1 to i32
    %cond3A_21 = arith.constant 0 : i32
    %cond3A_22 = arith.cmpi ne, %convert_element_type3A_20, %cond3A_21 : i32
    scf.if %cond3A_22 {
      "tpu.region"() ({
        %run_scoped3A_28 = tpu.sem_alloc : memref<!tpu.dma_semaphore, #tpu.memory_space<semaphore_mem>>
        %dma_start3A = arith.constant 0 : i32
        %dma_start3A_29 = arith.constant 0 : i32
        %dma_start3A_30 = tpu.memref_slice %arg5[%arg0, %dma_start3A, %dma_start3A_29] : memref<2x10000x128xf32, #tpu.memory_space<hbm>> -> memref<1x10000x128xf32, #tpu.memory_space<hbm>>
        %dma_start3A_31 = tpu.memref_squeeze %dma_start3A_30 : memref<1x10000x128xf32, #tpu.memory_space<hbm>> -> memref<10000x128xf32, #tpu.memory_space<hbm>>
        %dma_start3A_32 = arith.constant 0 : i32
        %dma_start3A_33 = tpu.memref_slice %dma_start3A_31[%mul3A_17, %dma_start3A_32] : memref<10000x128xf32, #tpu.memory_space<hbm>> -> memref<640x128xf32, #tpu.memory_space<hbm>>
        %dma_start3A_34 = arith.constant 0 : i32
        %dma_start3A_35 = tpu.memref_slice %arg8[%mul3A_17, %dma_start3A_34] : memref<10008x128xf32, #tpu.memory_space<vmem_shared>> -> memref<640x128xf32, #tpu.memory_space<vmem_shared>>
        tpu.enqueue_dma source(%dma_start3A_35 : memref<640x128xf32, #tpu.memory_space<vmem_shared>>) target(%dma_start3A_33 : memref<640x128xf32, #tpu.memory_space<hbm>>) target_semaphore(%run_scoped3A_28 : memref<!tpu.dma_semaphore, #tpu.memory_space<semaphore_mem>>)
        %dma_wait3A = arith.constant 0 : i32
        %dma_wait3A_36 = arith.constant 0 : i32
        %dma_wait3A_37 = tpu.memref_slice %arg5[%arg0, %dma_wait3A, %dma_wait3A_36] : memref<2x10000x128xf32, #tpu.memory_space<hbm>> -> memref<1x10000x128xf32, #tpu.memory_space<hbm>>
        %dma_wait3A_38 = tpu.memref_squeeze %dma_wait3A_37 : memref<1x10000x128xf32, #tpu.memory_space<hbm>> -> memref<10000x128xf32, #tpu.memory_space<hbm>>
        %dma_wait3A_39 = arith.constant 0 : i32
        %dma_wait3A_40 = tpu.memref_slice %dma_wait3A_38[%mul3A_17, %dma_wait3A_39] : memref<10000x128xf32, #tpu.memory_space<hbm>> -> memref<640x128xf32, #tpu.memory_space<hbm>>
        %dma_wait3A_41 = arith.constant 0 : i32
        %dma_wait3A_42 = tpu.memref_slice %arg8[%mul3A_17, %dma_wait3A_41] : memref<10008x128xf32, #tpu.memory_space<vmem_shared>> -> memref<640x128xf32, #tpu.memory_space<vmem_shared>>
        tpu.wait_dma2 semaphore(%run_scoped3A_28 : memref<!tpu.dma_semaphore, #tpu.memory_space<semaphore_mem>>) src(%dma_wait3A_42 : memref<640x128xf32, #tpu.memory_space<vmem_shared>>) dst(%dma_wait3A_40 : memref<640x128xf32, #tpu.memory_space<hbm>>)
        tpu.yield
      }) : () -> ()
    } else {
    }
    %eq3A_23 = arith.constant 15 : i32
    %eq3A_24 = arith.cmpi eq, %arg1, %eq3A_23 : i32
    %convert_element_type3A_25 = arith.extui %eq3A_24 : i1 to i32
    %cond3A_26 = arith.constant 0 : i32
    %cond3A_27 = arith.cmpi ne, %convert_element_type3A_25, %cond3A_26 : i32
    scf.if %cond3A_27 {
      "tpu.region"() ({
        %run_scoped3A_28 = tpu.sem_alloc : memref<!tpu.dma_semaphore, #tpu.memory_space<semaphore_mem>>
        %dma_start3A = arith.constant 0 : i32
        %dma_start3A_29 = arith.constant 0 : i32
        %dma_start3A_30 = tpu.memref_slice %arg5[%arg0, %dma_start3A, %dma_start3A_29] : memref<2x10000x128xf32, #tpu.memory_space<hbm>> -> memref<1x10000x128xf32, #tpu.memory_space<hbm>>
        %dma_start3A_31 = tpu.memref_squeeze %dma_start3A_30 : memref<1x10000x128xf32, #tpu.memory_space<hbm>> -> memref<10000x128xf32, #tpu.memory_space<hbm>>
        %dma_start3A_32 = arith.constant 0 : i32
        %dma_start3A_33 = tpu.memref_slice %dma_start3A_31[%mul3A_17, %dma_start3A_32] : memref<10000x128xf32, #tpu.memory_space<hbm>> -> memref<400x128xf32, #tpu.memory_space<hbm>>
        %dma_start3A_34 = arith.constant 0 : i32
        %dma_start3A_35 = tpu.memref_slice %arg8[%mul3A_17, %dma_start3A_34] : memref<10008x128xf32, #tpu.memory_space<vmem_shared>> -> memref<400x128xf32, #tpu.memory_space<vmem_shared>>
        tpu.enqueue_dma source(%dma_start3A_35 : memref<400x128xf32, #tpu.memory_space<vmem_shared>>) target(%dma_start3A_33 : memref<400x128xf32, #tpu.memory_space<hbm>>) target_semaphore(%run_scoped3A_28 : memref<!tpu.dma_semaphore, #tpu.memory_space<semaphore_mem>>)
        %dma_wait3A = arith.constant 0 : i32
        %dma_wait3A_36 = arith.constant 0 : i32
        %dma_wait3A_37 = tpu.memref_slice %arg5[%arg0, %dma_wait3A, %dma_wait3A_36] : memref<2x10000x128xf32, #tpu.memory_space<hbm>> -> memref<1x10000x128xf32, #tpu.memory_space<hbm>>
        %dma_wait3A_38 = tpu.memref_squeeze %dma_wait3A_37 : memref<1x10000x128xf32, #tpu.memory_space<hbm>> -> memref<10000x128xf32, #tpu.memory_space<hbm>>
        %dma_wait3A_39 = arith.constant 0 : i32
        %dma_wait3A_40 = tpu.memref_slice %dma_wait3A_38[%mul3A_17, %dma_wait3A_39] : memref<10000x128xf32, #tpu.memory_space<hbm>> -> memref<400x128xf32, #tpu.memory_space<hbm>>
        %dma_wait3A_41 = arith.constant 0 : i32
        %dma_wait3A_42 = tpu.memref_slice %arg8[%mul3A_17, %dma_wait3A_41] : memref<10008x128xf32, #tpu.memory_space<vmem_shared>> -> memref<400x128xf32, #tpu.memory_space<vmem_shared>>
        tpu.wait_dma2 semaphore(%run_scoped3A_28 : memref<!tpu.dma_semaphore, #tpu.memory_space<semaphore_mem>>) src(%dma_wait3A_42 : memref<400x128xf32, #tpu.memory_space<vmem_shared>>) dst(%dma_wait3A_40 : memref<400x128xf32, #tpu.memory_space<hbm>>)
        tpu.yield
      }) : () -> ()
    } else {
    }
    return
  }
}

#map = affine_map<(d0, d1) -> (0, 0, 0)>
module attributes {stable_mosaic.version = 14 : i64} {
  func.func @_agg_body(%arg0: i32, %arg1: i32, %arg2: memref<2x10000x128xf32, #tpu.memory_space<hbm>>, %arg3: memref<2x1280x128xi32, #tpu.memory_space<hbm>>, %arg4: memref<2x10000x128xf32, #tpu.memory_space<hbm>>, %arg5: memref<2x40x128xi32, #tpu.memory_space<vmem>>, %arg6: memref<128x128xf32, #tpu.memory_space<vmem>>, %arg7: memref<128x128xf32, #tpu.memory_space<vmem>>, %arg8: memref<10008x128xf32, #tpu.memory_space<vmem_shared>>, %arg9: memref<!tpu.dma_semaphore, #tpu.memory_space<semaphore_mem>>, %arg10: memref<!tpu.dma_semaphore, #tpu.memory_space<semaphore_mem>>, %arg11: memref<!tpu.dma_semaphore, #tpu.memory_space<semaphore_mem>>, %arg12: memref<!tpu.dma_semaphore, #tpu.memory_space<semaphore_mem>>) attributes {dimension_semantics = [#tpu.dimension_semantics<core_parallel>, #tpu.dimension_semantics<subcore_parallel>], iteration_bounds = array<i64: 2, 16>, scalar_prefetch = 0 : i64, scratch_operands = 8 : i64, tpu.core_type = #tpu.core_type<sc_vector_subcore>, window_params = [{transform_indices = #map}, {transform_indices = #map}, {transform_indices = #map}]} {
    %mul3A = arith.constant 640 : i32
    %mul3A_0 = arith.muli %arg1, %mul3A : i32
    %lt3A = arith.constant 15 : i32
    %lt3A_1 = arith.cmpi slt, %arg1, %lt3A : i32
    %convert_element_type3A = arith.extui %lt3A_1 : i1 to i32
    %cond3A = arith.constant 0 : i32
    %cond3A_2 = arith.cmpi ne, %convert_element_type3A, %cond3A : i32
    scf.if %cond3A_2 {
      "tpu.region"() ({
        %run_scoped3A = tpu.sem_alloc : memref<!tpu.dma_semaphore, #tpu.memory_space<semaphore_mem>>
        %dma_start3A = arith.constant 0 : i32
        %dma_start3A_36 = tpu.memref_slice %arg8[%mul3A_0, %dma_start3A] : memref<10008x128xf32, #tpu.memory_space<vmem_shared>> -> memref<640x128xf32, #tpu.memory_space<vmem_shared>>
        %dma_start3A_37 = arith.constant 0 : i32
        %dma_start3A_38 = arith.constant 0 : i32
        %dma_start3A_39 = tpu.memref_slice %arg2[%arg0, %dma_start3A_37, %dma_start3A_38] : memref<2x10000x128xf32, #tpu.memory_space<hbm>> -> memref<1x10000x128xf32, #tpu.memory_space<hbm>>
        %dma_start3A_40 = tpu.memref_squeeze %dma_start3A_39 : memref<1x10000x128xf32, #tpu.memory_space<hbm>> -> memref<10000x128xf32, #tpu.memory_space<hbm>>
        %dma_start3A_41 = arith.constant 0 : i32
        %dma_start3A_42 = tpu.memref_slice %dma_start3A_40[%mul3A_0, %dma_start3A_41] : memref<10000x128xf32, #tpu.memory_space<hbm>> -> memref<640x128xf32, #tpu.memory_space<hbm>>
        tpu.enqueue_dma source(%dma_start3A_42 : memref<640x128xf32, #tpu.memory_space<hbm>>) target(%dma_start3A_36 : memref<640x128xf32, #tpu.memory_space<vmem_shared>>) target_semaphore(%run_scoped3A : memref<!tpu.dma_semaphore, #tpu.memory_space<semaphore_mem>>)
        %dma_wait3A = arith.constant 0 : i32
        %dma_wait3A_43 = tpu.memref_slice %arg8[%mul3A_0, %dma_wait3A] : memref<10008x128xf32, #tpu.memory_space<vmem_shared>> -> memref<640x128xf32, #tpu.memory_space<vmem_shared>>
        %dma_wait3A_44 = arith.constant 0 : i32
        %dma_wait3A_45 = arith.constant 0 : i32
        %dma_wait3A_46 = tpu.memref_slice %arg2[%arg0, %dma_wait3A_44, %dma_wait3A_45] : memref<2x10000x128xf32, #tpu.memory_space<hbm>> -> memref<1x10000x128xf32, #tpu.memory_space<hbm>>
        %dma_wait3A_47 = tpu.memref_squeeze %dma_wait3A_46 : memref<1x10000x128xf32, #tpu.memory_space<hbm>> -> memref<10000x128xf32, #tpu.memory_space<hbm>>
        %dma_wait3A_48 = arith.constant 0 : i32
        %dma_wait3A_49 = tpu.memref_slice %dma_wait3A_47[%mul3A_0, %dma_wait3A_48] : memref<10000x128xf32, #tpu.memory_space<hbm>> -> memref<640x128xf32, #tpu.memory_space<hbm>>
        tpu.wait_dma2 semaphore(%run_scoped3A : memref<!tpu.dma_semaphore, #tpu.memory_space<semaphore_mem>>) src(%dma_wait3A_49 : memref<640x128xf32, #tpu.memory_space<hbm>>) dst(%dma_wait3A_43 : memref<640x128xf32, #tpu.memory_space<vmem_shared>>)
        tpu.yield
      }) : () -> ()
    } else {
    }
    %eq3A = arith.constant 15 : i32
    %eq3A_3 = arith.cmpi eq, %arg1, %eq3A : i32
    %convert_element_type3A_4 = arith.extui %eq3A_3 : i1 to i32
    %cond3A_5 = arith.constant 0 : i32
    %cond3A_6 = arith.cmpi ne, %convert_element_type3A_4, %cond3A_5 : i32
    scf.if %cond3A_6 {
      "tpu.region"() ({
        %run_scoped3A = tpu.sem_alloc : memref<!tpu.dma_semaphore, #tpu.memory_space<semaphore_mem>>
        %dma_start3A = arith.constant 0 : i32
        %dma_start3A_36 = tpu.memref_slice %arg8[%mul3A_0, %dma_start3A] : memref<10008x128xf32, #tpu.memory_space<vmem_shared>> -> memref<400x128xf32, #tpu.memory_space<vmem_shared>>
        %dma_start3A_37 = arith.constant 0 : i32
        %dma_start3A_38 = arith.constant 0 : i32
        %dma_start3A_39 = tpu.memref_slice %arg2[%arg0, %dma_start3A_37, %dma_start3A_38] : memref<2x10000x128xf32, #tpu.memory_space<hbm>> -> memref<1x10000x128xf32, #tpu.memory_space<hbm>>
        %dma_start3A_40 = tpu.memref_squeeze %dma_start3A_39 : memref<1x10000x128xf32, #tpu.memory_space<hbm>> -> memref<10000x128xf32, #tpu.memory_space<hbm>>
        %dma_start3A_41 = arith.constant 0 : i32
        %dma_start3A_42 = tpu.memref_slice %dma_start3A_40[%mul3A_0, %dma_start3A_41] : memref<10000x128xf32, #tpu.memory_space<hbm>> -> memref<400x128xf32, #tpu.memory_space<hbm>>
        tpu.enqueue_dma source(%dma_start3A_42 : memref<400x128xf32, #tpu.memory_space<hbm>>) target(%dma_start3A_36 : memref<400x128xf32, #tpu.memory_space<vmem_shared>>) target_semaphore(%run_scoped3A : memref<!tpu.dma_semaphore, #tpu.memory_space<semaphore_mem>>)
        %dma_wait3A = arith.constant 0 : i32
        %dma_wait3A_43 = tpu.memref_slice %arg8[%mul3A_0, %dma_wait3A] : memref<10008x128xf32, #tpu.memory_space<vmem_shared>> -> memref<400x128xf32, #tpu.memory_space<vmem_shared>>
        %dma_wait3A_44 = arith.constant 0 : i32
        %dma_wait3A_45 = arith.constant 0 : i32
        %dma_wait3A_46 = tpu.memref_slice %arg2[%arg0, %dma_wait3A_44, %dma_wait3A_45] : memref<2x10000x128xf32, #tpu.memory_space<hbm>> -> memref<1x10000x128xf32, #tpu.memory_space<hbm>>
        %dma_wait3A_47 = tpu.memref_squeeze %dma_wait3A_46 : memref<1x10000x128xf32, #tpu.memory_space<hbm>> -> memref<10000x128xf32, #tpu.memory_space<hbm>>
        %dma_wait3A_48 = arith.constant 0 : i32
        %dma_wait3A_49 = tpu.memref_slice %dma_wait3A_47[%mul3A_0, %dma_wait3A_48] : memref<10000x128xf32, #tpu.memory_space<hbm>> -> memref<400x128xf32, #tpu.memory_space<hbm>>
        tpu.wait_dma2 semaphore(%run_scoped3A : memref<!tpu.dma_semaphore, #tpu.memory_space<semaphore_mem>>) src(%dma_wait3A_49 : memref<400x128xf32, #tpu.memory_space<hbm>>) dst(%dma_wait3A_43 : memref<400x128xf32, #tpu.memory_space<vmem_shared>>)
        tpu.yield
      }) : () -> ()
    } else {
    }
    %barrier3A = arith.constant 0 : index
    tpu.barrier barrier_id(%barrier3A)
    %mul3A_7 = arith.constant 80 : i32
    %mul3A_8 = arith.muli %arg1, %mul3A_7 : i32
    %add3A = arith.constant 0 : i32
    %add3A_9 = arith.addi %mul3A_8, %add3A : i32
    "tpu.region"() ({
      %run_scoped3A = tpu.sem_alloc : memref<!tpu.dma_semaphore, #tpu.memory_space<semaphore_mem>>
      %dma_start3A = arith.constant 0 : i32
      %dma_start3A_36 = arith.constant 0 : i32
      %dma_start3A_37 = tpu.memref_slice %arg3[%dma_start3A, %add3A_9, %dma_start3A_36] : memref<2x1280x128xi32, #tpu.memory_space<hbm>> -> memref<2x40x128xi32, #tpu.memory_space<hbm>>
      %dma_start3A_38 = arith.constant 0 : i32
      %dma_start3A_39 = arith.constant 0 : i32
      %dma_start3A_40 = tpu.memref_slice %arg3[%dma_start3A_38, %add3A_9, %dma_start3A_39] : memref<2x1280x128xi32, #tpu.memory_space<hbm>> -> memref<2x40x128xi32, #tpu.memory_space<hbm>>
      tpu.enqueue_dma source(%dma_start3A_40 : memref<2x40x128xi32, #tpu.memory_space<hbm>>) target(%arg5 : memref<2x40x128xi32, #tpu.memory_space<vmem>>) target_semaphore(%run_scoped3A : memref<!tpu.dma_semaphore, #tpu.memory_space<semaphore_mem>>)
      %dma_wait3A = arith.constant 0 : i32
      %dma_wait3A_41 = arith.constant 0 : i32
      %dma_wait3A_42 = tpu.memref_slice %arg3[%dma_wait3A, %add3A_9, %dma_wait3A_41] : memref<2x1280x128xi32, #tpu.memory_space<hbm>> -> memref<2x40x128xi32, #tpu.memory_space<hbm>>
      %dma_wait3A_43 = arith.constant 0 : i32
      %dma_wait3A_44 = arith.constant 0 : i32
      %dma_wait3A_45 = tpu.memref_slice %arg3[%dma_wait3A_43, %add3A_9, %dma_wait3A_44] : memref<2x1280x128xi32, #tpu.memory_space<hbm>> -> memref<2x40x128xi32, #tpu.memory_space<hbm>>
      tpu.wait_dma2 semaphore(%run_scoped3A : memref<!tpu.dma_semaphore, #tpu.memory_space<semaphore_mem>>) src(%dma_wait3A_45 : memref<2x40x128xi32, #tpu.memory_space<hbm>>) dst(%arg5 : memref<2x40x128xi32, #tpu.memory_space<vmem>>)
      tpu.yield
    }) : () -> ()
    %scan3A = arith.constant 0 : i32
    %scan3A_10 = arith.constant 20 : i32
    %scan3A_11 = arith.addi %scan3A, %scan3A_10 : i32
    %scan3A_12 = arith.constant 1 : i32
    scf.for %scan3A_36 = %scan3A to %scan3A_11 step %scan3A_12  : i32 {
      %mul3A_37 = arith.constant 2 : i32
      %mul3A_38 = arith.muli %scan3A_36, %mul3A_37 : i32
      %add3A_39 = arith.constant 0 : i32
      %add3A_40 = arith.addi %add3A_39, %mul3A_38 : i32
      %dma_start3A = arith.constant 0 : i32
      %dma_start3A_41 = arith.constant 0 : i32
      %dma_start3A_42 = tpu.memref_slice %arg5[%dma_start3A, %add3A_40, %dma_start3A_41] : memref<2x40x128xi32, #tpu.memory_space<vmem>> -> memref<1x1x128xi32, #tpu.memory_space<vmem>>
      %dma_start3A_43 = tpu.memref_squeeze %dma_start3A_42 : memref<1x1x128xi32, #tpu.memory_space<vmem>> -> memref<128xi32, #tpu.memory_space<vmem>>
      %dma_start3A_44 = arith.constant 0 : i32
      %dma_start3A_45 = arith.constant 0 : i32
      %dma_start3A_46 = tpu.memref_slice %arg2[%arg0, %dma_start3A_44, %dma_start3A_45] : memref<2x10000x128xf32, #tpu.memory_space<hbm>> -> memref<1x10000x128xf32, #tpu.memory_space<hbm>>
      %dma_start3A_47 = tpu.memref_squeeze %dma_start3A_46 : memref<1x10000x128xf32, #tpu.memory_space<hbm>> -> memref<10000x128xf32, #tpu.memory_space<hbm>>
      %dma_start3A_48 = arith.constant 0 : i32
      %dma_start3A_49 = arith.constant 0 : i32
      %dma_start3A_50 = tpu.memref_slice %dma_start3A_47[%dma_start3A_48, %dma_start3A_49] : memref<10000x128xf32, #tpu.memory_space<hbm>> -> memref<10000x128xf32, #tpu.memory_space<hbm>>
      tpu.enqueue_indirect_dma source(%dma_start3A_50 : memref<10000x128xf32, #tpu.memory_space<hbm>>) target(%arg6 : memref<128x128xf32, #tpu.memory_space<vmem>>) offsets(%dma_start3A_43 : memref<128xi32, #tpu.memory_space<vmem>>) semaphore(%arg9 : memref<!tpu.dma_semaphore, #tpu.memory_space<semaphore_mem>>)
      %add3A_51 = arith.constant 1 : i32
      %add3A_52 = arith.addi %add3A_40, %add3A_51 : i32
      %dma_start3A_53 = arith.constant 0 : i32
      %dma_start3A_54 = arith.constant 0 : i32
      %dma_start3A_55 = tpu.memref_slice %arg5[%dma_start3A_53, %add3A_52, %dma_start3A_54] : memref<2x40x128xi32, #tpu.memory_space<vmem>> -> memref<1x1x128xi32, #tpu.memory_space<vmem>>
      %dma_start3A_56 = tpu.memref_squeeze %dma_start3A_55 : memref<1x1x128xi32, #tpu.memory_space<vmem>> -> memref<128xi32, #tpu.memory_space<vmem>>
      %dma_start3A_57 = arith.constant 0 : i32
      %dma_start3A_58 = arith.constant 0 : i32
      %dma_start3A_59 = tpu.memref_slice %arg2[%arg0, %dma_start3A_57, %dma_start3A_58] : memref<2x10000x128xf32, #tpu.memory_space<hbm>> -> memref<1x10000x128xf32, #tpu.memory_space<hbm>>
      %dma_start3A_60 = tpu.memref_squeeze %dma_start3A_59 : memref<1x10000x128xf32, #tpu.memory_space<hbm>> -> memref<10000x128xf32, #tpu.memory_space<hbm>>
      %dma_start3A_61 = arith.constant 0 : i32
      %dma_start3A_62 = arith.constant 0 : i32
      %dma_start3A_63 = tpu.memref_slice %dma_start3A_60[%dma_start3A_61, %dma_start3A_62] : memref<10000x128xf32, #tpu.memory_space<hbm>> -> memref<10000x128xf32, #tpu.memory_space<hbm>>
      tpu.enqueue_indirect_dma source(%dma_start3A_63 : memref<10000x128xf32, #tpu.memory_space<hbm>>) target(%arg7 : memref<128x128xf32, #tpu.memory_space<vmem>>) offsets(%dma_start3A_56 : memref<128xi32, #tpu.memory_space<vmem>>) semaphore(%arg10 : memref<!tpu.dma_semaphore, #tpu.memory_space<semaphore_mem>>)
      %dma_wait3A = arith.constant 0 : i32
      %dma_wait3A_64 = arith.constant 0 : i32
      %dma_wait3A_65 = tpu.memref_slice %arg5[%dma_wait3A, %add3A_40, %dma_wait3A_64] : memref<2x40x128xi32, #tpu.memory_space<vmem>> -> memref<1x1x128xi32, #tpu.memory_space<vmem>>
      %dma_wait3A_66 = tpu.memref_squeeze %dma_wait3A_65 : memref<1x1x128xi32, #tpu.memory_space<vmem>> -> memref<128xi32, #tpu.memory_space<vmem>>
      %dma_wait3A_67 = arith.constant 0 : i32
      %dma_wait3A_68 = arith.constant 0 : i32
      %dma_wait3A_69 = tpu.memref_slice %arg2[%arg0, %dma_wait3A_67, %dma_wait3A_68] : memref<2x10000x128xf32, #tpu.memory_space<hbm>> -> memref<1x10000x128xf32, #tpu.memory_space<hbm>>
      %dma_wait3A_70 = tpu.memref_squeeze %dma_wait3A_69 : memref<1x10000x128xf32, #tpu.memory_space<hbm>> -> memref<10000x128xf32, #tpu.memory_space<hbm>>
      %dma_wait3A_71 = arith.constant 0 : i32
      %dma_wait3A_72 = arith.constant 0 : i32
      %dma_wait3A_73 = tpu.memref_slice %dma_wait3A_70[%dma_wait3A_71, %dma_wait3A_72] : memref<10000x128xf32, #tpu.memory_space<hbm>> -> memref<10000x128xf32, #tpu.memory_space<hbm>>
      tpu.wait_indirect_dma semaphore(%arg9 : memref<!tpu.dma_semaphore, #tpu.memory_space<semaphore_mem>>) src(%dma_wait3A_73 : memref<10000x128xf32, #tpu.memory_space<hbm>>) dst(%arg6 : memref<128x128xf32, #tpu.memory_space<vmem>>)
      %dma_start3A_74 = arith.constant 1 : i32
      %dma_start3A_75 = arith.constant 0 : i32
      %dma_start3A_76 = tpu.memref_slice %arg5[%dma_start3A_74, %add3A_40, %dma_start3A_75] : memref<2x40x128xi32, #tpu.memory_space<vmem>> -> memref<1x1x128xi32, #tpu.memory_space<vmem>>
      %dma_start3A_77 = tpu.memref_squeeze %dma_start3A_76 : memref<1x1x128xi32, #tpu.memory_space<vmem>> -> memref<128xi32, #tpu.memory_space<vmem>>
      %dma_start3A_78 = arith.constant 0 : i32
      %dma_start3A_79 = arith.constant 0 : i32
      %dma_start3A_80 = tpu.memref_slice %arg8[%dma_start3A_78, %dma_start3A_79] : memref<10008x128xf32, #tpu.memory_space<vmem_shared>> -> memref<10008x128xf32, #tpu.memory_space<vmem_shared>>
      tpu.enqueue_indirect_dma source(%arg6 : memref<128x128xf32, #tpu.memory_space<vmem>>) target(%dma_start3A_80 : memref<10008x128xf32, #tpu.memory_space<vmem_shared>>) offsets(%dma_start3A_77 : memref<128xi32, #tpu.memory_space<vmem>>) semaphore(%arg11 : memref<!tpu.dma_semaphore, #tpu.memory_space<semaphore_mem>>) {add = true}
      %dma_wait3A_81 = arith.constant 0 : i32
      %dma_wait3A_82 = arith.constant 0 : i32
      %dma_wait3A_83 = tpu.memref_slice %arg5[%dma_wait3A_81, %add3A_52, %dma_wait3A_82] : memref<2x40x128xi32, #tpu.memory_space<vmem>> -> memref<1x1x128xi32, #tpu.memory_space<vmem>>
      %dma_wait3A_84 = tpu.memref_squeeze %dma_wait3A_83 : memref<1x1x128xi32, #tpu.memory_space<vmem>> -> memref<128xi32, #tpu.memory_space<vmem>>
      %dma_wait3A_85 = arith.constant 0 : i32
      %dma_wait3A_86 = arith.constant 0 : i32
      %dma_wait3A_87 = tpu.memref_slice %arg2[%arg0, %dma_wait3A_85, %dma_wait3A_86] : memref<2x10000x128xf32, #tpu.memory_space<hbm>> -> memref<1x10000x128xf32, #tpu.memory_space<hbm>>
      %dma_wait3A_88 = tpu.memref_squeeze %dma_wait3A_87 : memref<1x10000x128xf32, #tpu.memory_space<hbm>> -> memref<10000x128xf32, #tpu.memory_space<hbm>>
      %dma_wait3A_89 = arith.constant 0 : i32
      %dma_wait3A_90 = arith.constant 0 : i32
      %dma_wait3A_91 = tpu.memref_slice %dma_wait3A_88[%dma_wait3A_89, %dma_wait3A_90] : memref<10000x128xf32, #tpu.memory_space<hbm>> -> memref<10000x128xf32, #tpu.memory_space<hbm>>
      tpu.wait_indirect_dma semaphore(%arg10 : memref<!tpu.dma_semaphore, #tpu.memory_space<semaphore_mem>>) src(%dma_wait3A_91 : memref<10000x128xf32, #tpu.memory_space<hbm>>) dst(%arg7 : memref<128x128xf32, #tpu.memory_space<vmem>>)
      %add3A_92 = arith.constant 1 : i32
      %add3A_93 = arith.addi %add3A_40, %add3A_92 : i32
      %dma_start3A_94 = arith.constant 1 : i32
      %dma_start3A_95 = arith.constant 0 : i32
      %dma_start3A_96 = tpu.memref_slice %arg5[%dma_start3A_94, %add3A_93, %dma_start3A_95] : memref<2x40x128xi32, #tpu.memory_space<vmem>> -> memref<1x1x128xi32, #tpu.memory_space<vmem>>
      %dma_start3A_97 = tpu.memref_squeeze %dma_start3A_96 : memref<1x1x128xi32, #tpu.memory_space<vmem>> -> memref<128xi32, #tpu.memory_space<vmem>>
      %dma_start3A_98 = arith.constant 0 : i32
      %dma_start3A_99 = arith.constant 0 : i32
      %dma_start3A_100 = tpu.memref_slice %arg8[%dma_start3A_98, %dma_start3A_99] : memref<10008x128xf32, #tpu.memory_space<vmem_shared>> -> memref<10008x128xf32, #tpu.memory_space<vmem_shared>>
      tpu.enqueue_indirect_dma source(%arg7 : memref<128x128xf32, #tpu.memory_space<vmem>>) target(%dma_start3A_100 : memref<10008x128xf32, #tpu.memory_space<vmem_shared>>) offsets(%dma_start3A_97 : memref<128xi32, #tpu.memory_space<vmem>>) semaphore(%arg12 : memref<!tpu.dma_semaphore, #tpu.memory_space<semaphore_mem>>) {add = true}
      %dma_wait3A_101 = arith.constant 1 : i32
      %dma_wait3A_102 = arith.constant 0 : i32
      %dma_wait3A_103 = tpu.memref_slice %arg5[%dma_wait3A_101, %add3A_40, %dma_wait3A_102] : memref<2x40x128xi32, #tpu.memory_space<vmem>> -> memref<1x1x128xi32, #tpu.memory_space<vmem>>
      %dma_wait3A_104 = tpu.memref_squeeze %dma_wait3A_103 : memref<1x1x128xi32, #tpu.memory_space<vmem>> -> memref<128xi32, #tpu.memory_space<vmem>>
      %dma_wait3A_105 = arith.constant 0 : i32
      %dma_wait3A_106 = arith.constant 0 : i32
      %dma_wait3A_107 = tpu.memref_slice %arg8[%dma_wait3A_105, %dma_wait3A_106] : memref<10008x128xf32, #tpu.memory_space<vmem_shared>> -> memref<10008x128xf32, #tpu.memory_space<vmem_shared>>
      tpu.wait_indirect_dma semaphore(%arg11 : memref<!tpu.dma_semaphore, #tpu.memory_space<semaphore_mem>>) src(%arg6 : memref<128x128xf32, #tpu.memory_space<vmem>>) dst(%dma_wait3A_107 : memref<10008x128xf32, #tpu.memory_space<vmem_shared>>)
      %dma_wait3A_108 = arith.constant 1 : i32
      %dma_wait3A_109 = arith.constant 0 : i32
      %dma_wait3A_110 = tpu.memref_slice %arg5[%dma_wait3A_108, %add3A_93, %dma_wait3A_109] : memref<2x40x128xi32, #tpu.memory_space<vmem>> -> memref<1x1x128xi32, #tpu.memory_space<vmem>>
      %dma_wait3A_111 = tpu.memref_squeeze %dma_wait3A_110 : memref<1x1x128xi32, #tpu.memory_space<vmem>> -> memref<128xi32, #tpu.memory_space<vmem>>
      %dma_wait3A_112 = arith.constant 0 : i32
      %dma_wait3A_113 = arith.constant 0 : i32
      %dma_wait3A_114 = tpu.memref_slice %arg8[%dma_wait3A_112, %dma_wait3A_113] : memref<10008x128xf32, #tpu.memory_space<vmem_shared>> -> memref<10008x128xf32, #tpu.memory_space<vmem_shared>>
      tpu.wait_indirect_dma semaphore(%arg12 : memref<!tpu.dma_semaphore, #tpu.memory_space<semaphore_mem>>) src(%arg7 : memref<128x128xf32, #tpu.memory_space<vmem>>) dst(%dma_wait3A_114 : memref<10008x128xf32, #tpu.memory_space<vmem_shared>>)
    }
    %scan3A_13 = arith.constant 20 : i32
    %mul3A_14 = arith.constant 80 : i32
    %mul3A_15 = arith.muli %arg1, %mul3A_14 : i32
    %add3A_16 = arith.constant 40 : i32
    %add3A_17 = arith.addi %mul3A_15, %add3A_16 : i32
    "tpu.region"() ({
      %run_scoped3A = tpu.sem_alloc : memref<!tpu.dma_semaphore, #tpu.memory_space<semaphore_mem>>
      %dma_start3A = arith.constant 0 : i32
      %dma_start3A_36 = arith.constant 0 : i32
      %dma_start3A_37 = tpu.memref_slice %arg3[%dma_start3A, %add3A_17, %dma_start3A_36] : memref<2x1280x128xi32, #tpu.memory_space<hbm>> -> memref<2x40x128xi32, #tpu.memory_space<hbm>>
      %dma_start3A_38 = arith.constant 0 : i32
      %dma_start3A_39 = arith.constant 0 : i32
      %dma_start3A_40 = tpu.memref_slice %arg3[%dma_start3A_38, %add3A_17, %dma_start3A_39] : memref<2x1280x128xi32, #tpu.memory_space<hbm>> -> memref<2x40x128xi32, #tpu.memory_space<hbm>>
      tpu.enqueue_dma source(%dma_start3A_40 : memref<2x40x128xi32, #tpu.memory_space<hbm>>) target(%arg5 : memref<2x40x128xi32, #tpu.memory_space<vmem>>) target_semaphore(%run_scoped3A : memref<!tpu.dma_semaphore, #tpu.memory_space<semaphore_mem>>)
      %dma_wait3A = arith.constant 0 : i32
      %dma_wait3A_41 = arith.constant 0 : i32
      %dma_wait3A_42 = tpu.memref_slice %arg3[%dma_wait3A, %add3A_17, %dma_wait3A_41] : memref<2x1280x128xi32, #tpu.memory_space<hbm>> -> memref<2x40x128xi32, #tpu.memory_space<hbm>>
      %dma_wait3A_43 = arith.constant 0 : i32
      %dma_wait3A_44 = arith.constant 0 : i32
      %dma_wait3A_45 = tpu.memref_slice %arg3[%dma_wait3A_43, %add3A_17, %dma_wait3A_44] : memref<2x1280x128xi32, #tpu.memory_space<hbm>> -> memref<2x40x128xi32, #tpu.memory_space<hbm>>
      tpu.wait_dma2 semaphore(%run_scoped3A : memref<!tpu.dma_semaphore, #tpu.memory_space<semaphore_mem>>) src(%dma_wait3A_45 : memref<2x40x128xi32, #tpu.memory_space<hbm>>) dst(%arg5 : memref<2x40x128xi32, #tpu.memory_space<vmem>>)
      tpu.yield
    }) : () -> ()
    %scan3A_18 = arith.constant 0 : i32
    %scan3A_19 = arith.constant 20 : i32
    %scan3A_20 = arith.addi %scan3A_18, %scan3A_19 : i32
    %scan3A_21 = arith.constant 1 : i32
    scf.for %scan3A_36 = %scan3A_18 to %scan3A_20 step %scan3A_21  : i32 {
      %mul3A_37 = arith.constant 2 : i32
      %mul3A_38 = arith.muli %scan3A_36, %mul3A_37 : i32
      %add3A_39 = arith.constant 0 : i32
      %add3A_40 = arith.addi %add3A_39, %mul3A_38 : i32
      %dma_start3A = arith.constant 0 : i32
      %dma_start3A_41 = arith.constant 0 : i32
      %dma_start3A_42 = tpu.memref_slice %arg5[%dma_start3A, %add3A_40, %dma_start3A_41] : memref<2x40x128xi32, #tpu.memory_space<vmem>> -> memref<1x1x128xi32, #tpu.memory_space<vmem>>
      %dma_start3A_43 = tpu.memref_squeeze %dma_start3A_42 : memref<1x1x128xi32, #tpu.memory_space<vmem>> -> memref<128xi32, #tpu.memory_space<vmem>>
      %dma_start3A_44 = arith.constant 0 : i32
      %dma_start3A_45 = arith.constant 0 : i32
      %dma_start3A_46 = tpu.memref_slice %arg2[%arg0, %dma_start3A_44, %dma_start3A_45] : memref<2x10000x128xf32, #tpu.memory_space<hbm>> -> memref<1x10000x128xf32, #tpu.memory_space<hbm>>
      %dma_start3A_47 = tpu.memref_squeeze %dma_start3A_46 : memref<1x10000x128xf32, #tpu.memory_space<hbm>> -> memref<10000x128xf32, #tpu.memory_space<hbm>>
      %dma_start3A_48 = arith.constant 0 : i32
      %dma_start3A_49 = arith.constant 0 : i32
      %dma_start3A_50 = tpu.memref_slice %dma_start3A_47[%dma_start3A_48, %dma_start3A_49] : memref<10000x128xf32, #tpu.memory_space<hbm>> -> memref<10000x128xf32, #tpu.memory_space<hbm>>
      tpu.enqueue_indirect_dma source(%dma_start3A_50 : memref<10000x128xf32, #tpu.memory_space<hbm>>) target(%arg6 : memref<128x128xf32, #tpu.memory_space<vmem>>) offsets(%dma_start3A_43 : memref<128xi32, #tpu.memory_space<vmem>>) semaphore(%arg9 : memref<!tpu.dma_semaphore, #tpu.memory_space<semaphore_mem>>)
      %add3A_51 = arith.constant 1 : i32
      %add3A_52 = arith.addi %add3A_40, %add3A_51 : i32
      %dma_start3A_53 = arith.constant 0 : i32
      %dma_start3A_54 = arith.constant 0 : i32
      %dma_start3A_55 = tpu.memref_slice %arg5[%dma_start3A_53, %add3A_52, %dma_start3A_54] : memref<2x40x128xi32, #tpu.memory_space<vmem>> -> memref<1x1x128xi32, #tpu.memory_space<vmem>>
      %dma_start3A_56 = tpu.memref_squeeze %dma_start3A_55 : memref<1x1x128xi32, #tpu.memory_space<vmem>> -> memref<128xi32, #tpu.memory_space<vmem>>
      %dma_start3A_57 = arith.constant 0 : i32
      %dma_start3A_58 = arith.constant 0 : i32
      %dma_start3A_59 = tpu.memref_slice %arg2[%arg0, %dma_start3A_57, %dma_start3A_58] : memref<2x10000x128xf32, #tpu.memory_space<hbm>> -> memref<1x10000x128xf32, #tpu.memory_space<hbm>>
      %dma_start3A_60 = tpu.memref_squeeze %dma_start3A_59 : memref<1x10000x128xf32, #tpu.memory_space<hbm>> -> memref<10000x128xf32, #tpu.memory_space<hbm>>
      %dma_start3A_61 = arith.constant 0 : i32
      %dma_start3A_62 = arith.constant 0 : i32
      %dma_start3A_63 = tpu.memref_slice %dma_start3A_60[%dma_start3A_61, %dma_start3A_62] : memref<10000x128xf32, #tpu.memory_space<hbm>> -> memref<10000x128xf32, #tpu.memory_space<hbm>>
      tpu.enqueue_indirect_dma source(%dma_start3A_63 : memref<10000x128xf32, #tpu.memory_space<hbm>>) target(%arg7 : memref<128x128xf32, #tpu.memory_space<vmem>>) offsets(%dma_start3A_56 : memref<128xi32, #tpu.memory_space<vmem>>) semaphore(%arg10 : memref<!tpu.dma_semaphore, #tpu.memory_space<semaphore_mem>>)
      %dma_wait3A = arith.constant 0 : i32
      %dma_wait3A_64 = arith.constant 0 : i32
      %dma_wait3A_65 = tpu.memref_slice %arg5[%dma_wait3A, %add3A_40, %dma_wait3A_64] : memref<2x40x128xi32, #tpu.memory_space<vmem>> -> memref<1x1x128xi32, #tpu.memory_space<vmem>>
      %dma_wait3A_66 = tpu.memref_squeeze %dma_wait3A_65 : memref<1x1x128xi32, #tpu.memory_space<vmem>> -> memref<128xi32, #tpu.memory_space<vmem>>
      %dma_wait3A_67 = arith.constant 0 : i32
      %dma_wait3A_68 = arith.constant 0 : i32
      %dma_wait3A_69 = tpu.memref_slice %arg2[%arg0, %dma_wait3A_67, %dma_wait3A_68] : memref<2x10000x128xf32, #tpu.memory_space<hbm>> -> memref<1x10000x128xf32, #tpu.memory_space<hbm>>
      %dma_wait3A_70 = tpu.memref_squeeze %dma_wait3A_69 : memref<1x10000x128xf32, #tpu.memory_space<hbm>> -> memref<10000x128xf32, #tpu.memory_space<hbm>>
      %dma_wait3A_71 = arith.constant 0 : i32
      %dma_wait3A_72 = arith.constant 0 : i32
      %dma_wait3A_73 = tpu.memref_slice %dma_wait3A_70[%dma_wait3A_71, %dma_wait3A_72] : memref<10000x128xf32, #tpu.memory_space<hbm>> -> memref<10000x128xf32, #tpu.memory_space<hbm>>
      tpu.wait_indirect_dma semaphore(%arg9 : memref<!tpu.dma_semaphore, #tpu.memory_space<semaphore_mem>>) src(%dma_wait3A_73 : memref<10000x128xf32, #tpu.memory_space<hbm>>) dst(%arg6 : memref<128x128xf32, #tpu.memory_space<vmem>>)
      %dma_start3A_74 = arith.constant 1 : i32
      %dma_start3A_75 = arith.constant 0 : i32
      %dma_start3A_76 = tpu.memref_slice %arg5[%dma_start3A_74, %add3A_40, %dma_start3A_75] : memref<2x40x128xi32, #tpu.memory_space<vmem>> -> memref<1x1x128xi32, #tpu.memory_space<vmem>>
      %dma_start3A_77 = tpu.memref_squeeze %dma_start3A_76 : memref<1x1x128xi32, #tpu.memory_space<vmem>> -> memref<128xi32, #tpu.memory_space<vmem>>
      %dma_start3A_78 = arith.constant 0 : i32
      %dma_start3A_79 = arith.constant 0 : i32
      %dma_start3A_80 = tpu.memref_slice %arg8[%dma_start3A_78, %dma_start3A_79] : memref<10008x128xf32, #tpu.memory_space<vmem_shared>> -> memref<10008x128xf32, #tpu.memory_space<vmem_shared>>
      tpu.enqueue_indirect_dma source(%arg6 : memref<128x128xf32, #tpu.memory_space<vmem>>) target(%dma_start3A_80 : memref<10008x128xf32, #tpu.memory_space<vmem_shared>>) offsets(%dma_start3A_77 : memref<128xi32, #tpu.memory_space<vmem>>) semaphore(%arg11 : memref<!tpu.dma_semaphore, #tpu.memory_space<semaphore_mem>>) {add = true}
      %dma_wait3A_81 = arith.constant 0 : i32
      %dma_wait3A_82 = arith.constant 0 : i32
      %dma_wait3A_83 = tpu.memref_slice %arg5[%dma_wait3A_81, %add3A_52, %dma_wait3A_82] : memref<2x40x128xi32, #tpu.memory_space<vmem>> -> memref<1x1x128xi32, #tpu.memory_space<vmem>>
      %dma_wait3A_84 = tpu.memref_squeeze %dma_wait3A_83 : memref<1x1x128xi32, #tpu.memory_space<vmem>> -> memref<128xi32, #tpu.memory_space<vmem>>
      %dma_wait3A_85 = arith.constant 0 : i32
      %dma_wait3A_86 = arith.constant 0 : i32
      %dma_wait3A_87 = tpu.memref_slice %arg2[%arg0, %dma_wait3A_85, %dma_wait3A_86] : memref<2x10000x128xf32, #tpu.memory_space<hbm>> -> memref<1x10000x128xf32, #tpu.memory_space<hbm>>
      %dma_wait3A_88 = tpu.memref_squeeze %dma_wait3A_87 : memref<1x10000x128xf32, #tpu.memory_space<hbm>> -> memref<10000x128xf32, #tpu.memory_space<hbm>>
      %dma_wait3A_89 = arith.constant 0 : i32
      %dma_wait3A_90 = arith.constant 0 : i32
      %dma_wait3A_91 = tpu.memref_slice %dma_wait3A_88[%dma_wait3A_89, %dma_wait3A_90] : memref<10000x128xf32, #tpu.memory_space<hbm>> -> memref<10000x128xf32, #tpu.memory_space<hbm>>
      tpu.wait_indirect_dma semaphore(%arg10 : memref<!tpu.dma_semaphore, #tpu.memory_space<semaphore_mem>>) src(%dma_wait3A_91 : memref<10000x128xf32, #tpu.memory_space<hbm>>) dst(%arg7 : memref<128x128xf32, #tpu.memory_space<vmem>>)
      %add3A_92 = arith.constant 1 : i32
      %add3A_93 = arith.addi %add3A_40, %add3A_92 : i32
      %dma_start3A_94 = arith.constant 1 : i32
      %dma_start3A_95 = arith.constant 0 : i32
      %dma_start3A_96 = tpu.memref_slice %arg5[%dma_start3A_94, %add3A_93, %dma_start3A_95] : memref<2x40x128xi32, #tpu.memory_space<vmem>> -> memref<1x1x128xi32, #tpu.memory_space<vmem>>
      %dma_start3A_97 = tpu.memref_squeeze %dma_start3A_96 : memref<1x1x128xi32, #tpu.memory_space<vmem>> -> memref<128xi32, #tpu.memory_space<vmem>>
      %dma_start3A_98 = arith.constant 0 : i32
      %dma_start3A_99 = arith.constant 0 : i32
      %dma_start3A_100 = tpu.memref_slice %arg8[%dma_start3A_98, %dma_start3A_99] : memref<10008x128xf32, #tpu.memory_space<vmem_shared>> -> memref<10008x128xf32, #tpu.memory_space<vmem_shared>>
      tpu.enqueue_indirect_dma source(%arg7 : memref<128x128xf32, #tpu.memory_space<vmem>>) target(%dma_start3A_100 : memref<10008x128xf32, #tpu.memory_space<vmem_shared>>) offsets(%dma_start3A_97 : memref<128xi32, #tpu.memory_space<vmem>>) semaphore(%arg12 : memref<!tpu.dma_semaphore, #tpu.memory_space<semaphore_mem>>) {add = true}
      %dma_wait3A_101 = arith.constant 1 : i32
      %dma_wait3A_102 = arith.constant 0 : i32
      %dma_wait3A_103 = tpu.memref_slice %arg5[%dma_wait3A_101, %add3A_40, %dma_wait3A_102] : memref<2x40x128xi32, #tpu.memory_space<vmem>> -> memref<1x1x128xi32, #tpu.memory_space<vmem>>
      %dma_wait3A_104 = tpu.memref_squeeze %dma_wait3A_103 : memref<1x1x128xi32, #tpu.memory_space<vmem>> -> memref<128xi32, #tpu.memory_space<vmem>>
      %dma_wait3A_105 = arith.constant 0 : i32
      %dma_wait3A_106 = arith.constant 0 : i32
      %dma_wait3A_107 = tpu.memref_slice %arg8[%dma_wait3A_105, %dma_wait3A_106] : memref<10008x128xf32, #tpu.memory_space<vmem_shared>> -> memref<10008x128xf32, #tpu.memory_space<vmem_shared>>
      tpu.wait_indirect_dma semaphore(%arg11 : memref<!tpu.dma_semaphore, #tpu.memory_space<semaphore_mem>>) src(%arg6 : memref<128x128xf32, #tpu.memory_space<vmem>>) dst(%dma_wait3A_107 : memref<10008x128xf32, #tpu.memory_space<vmem_shared>>)
      %dma_wait3A_108 = arith.constant 1 : i32
      %dma_wait3A_109 = arith.constant 0 : i32
      %dma_wait3A_110 = tpu.memref_slice %arg5[%dma_wait3A_108, %add3A_93, %dma_wait3A_109] : memref<2x40x128xi32, #tpu.memory_space<vmem>> -> memref<1x1x128xi32, #tpu.memory_space<vmem>>
      %dma_wait3A_111 = tpu.memref_squeeze %dma_wait3A_110 : memref<1x1x128xi32, #tpu.memory_space<vmem>> -> memref<128xi32, #tpu.memory_space<vmem>>
      %dma_wait3A_112 = arith.constant 0 : i32
      %dma_wait3A_113 = arith.constant 0 : i32
      %dma_wait3A_114 = tpu.memref_slice %arg8[%dma_wait3A_112, %dma_wait3A_113] : memref<10008x128xf32, #tpu.memory_space<vmem_shared>> -> memref<10008x128xf32, #tpu.memory_space<vmem_shared>>
      tpu.wait_indirect_dma semaphore(%arg12 : memref<!tpu.dma_semaphore, #tpu.memory_space<semaphore_mem>>) src(%arg7 : memref<128x128xf32, #tpu.memory_space<vmem>>) dst(%dma_wait3A_114 : memref<10008x128xf32, #tpu.memory_space<vmem_shared>>)
    }
    %scan3A_22 = arith.constant 20 : i32
    %barrier3A_23 = arith.constant 0 : index
    tpu.barrier barrier_id(%barrier3A_23)
    %mul3A_24 = arith.constant 640 : i32
    %mul3A_25 = arith.muli %arg1, %mul3A_24 : i32
    %lt3A_26 = arith.constant 15 : i32
    %lt3A_27 = arith.cmpi slt, %arg1, %lt3A_26 : i32
    %convert_element_type3A_28 = arith.extui %lt3A_27 : i1 to i32
    %cond3A_29 = arith.constant 0 : i32
    %cond3A_30 = arith.cmpi ne, %convert_element_type3A_28, %cond3A_29 : i32
    scf.if %cond3A_30 {
      "tpu.region"() ({
        %run_scoped3A = tpu.sem_alloc : memref<!tpu.dma_semaphore, #tpu.memory_space<semaphore_mem>>
        %dma_start3A = arith.constant 0 : i32
        %dma_start3A_36 = arith.constant 0 : i32
        %dma_start3A_37 = tpu.memref_slice %arg4[%arg0, %dma_start3A, %dma_start3A_36] : memref<2x10000x128xf32, #tpu.memory_space<hbm>> -> memref<1x10000x128xf32, #tpu.memory_space<hbm>>
        %dma_start3A_38 = tpu.memref_squeeze %dma_start3A_37 : memref<1x10000x128xf32, #tpu.memory_space<hbm>> -> memref<10000x128xf32, #tpu.memory_space<hbm>>
        %dma_start3A_39 = arith.constant 0 : i32
        %dma_start3A_40 = tpu.memref_slice %dma_start3A_38[%mul3A_25, %dma_start3A_39] : memref<10000x128xf32, #tpu.memory_space<hbm>> -> memref<640x128xf32, #tpu.memory_space<hbm>>
        %dma_start3A_41 = arith.constant 0 : i32
        %dma_start3A_42 = tpu.memref_slice %arg8[%mul3A_25, %dma_start3A_41] : memref<10008x128xf32, #tpu.memory_space<vmem_shared>> -> memref<640x128xf32, #tpu.memory_space<vmem_shared>>
        tpu.enqueue_dma source(%dma_start3A_42 : memref<640x128xf32, #tpu.memory_space<vmem_shared>>) target(%dma_start3A_40 : memref<640x128xf32, #tpu.memory_space<hbm>>) target_semaphore(%run_scoped3A : memref<!tpu.dma_semaphore, #tpu.memory_space<semaphore_mem>>)
        %dma_wait3A = arith.constant 0 : i32
        %dma_wait3A_43 = arith.constant 0 : i32
        %dma_wait3A_44 = tpu.memref_slice %arg4[%arg0, %dma_wait3A, %dma_wait3A_43] : memref<2x10000x128xf32, #tpu.memory_space<hbm>> -> memref<1x10000x128xf32, #tpu.memory_space<hbm>>
        %dma_wait3A_45 = tpu.memref_squeeze %dma_wait3A_44 : memref<1x10000x128xf32, #tpu.memory_space<hbm>> -> memref<10000x128xf32, #tpu.memory_space<hbm>>
        %dma_wait3A_46 = arith.constant 0 : i32
        %dma_wait3A_47 = tpu.memref_slice %dma_wait3A_45[%mul3A_25, %dma_wait3A_46] : memref<10000x128xf32, #tpu.memory_space<hbm>> -> memref<640x128xf32, #tpu.memory_space<hbm>>
        %dma_wait3A_48 = arith.constant 0 : i32
        %dma_wait3A_49 = tpu.memref_slice %arg8[%mul3A_25, %dma_wait3A_48] : memref<10008x128xf32, #tpu.memory_space<vmem_shared>> -> memref<640x128xf32, #tpu.memory_space<vmem_shared>>
        tpu.wait_dma2 semaphore(%run_scoped3A : memref<!tpu.dma_semaphore, #tpu.memory_space<semaphore_mem>>) src(%dma_wait3A_49 : memref<640x128xf32, #tpu.memory_space<vmem_shared>>) dst(%dma_wait3A_47 : memref<640x128xf32, #tpu.memory_space<hbm>>)
        tpu.yield
      }) : () -> ()
    } else {
    }
    %eq3A_31 = arith.constant 15 : i32
    %eq3A_32 = arith.cmpi eq, %arg1, %eq3A_31 : i32
    %convert_element_type3A_33 = arith.extui %eq3A_32 : i1 to i32
    %cond3A_34 = arith.constant 0 : i32
    %cond3A_35 = arith.cmpi ne, %convert_element_type3A_33, %cond3A_34 : i32
    scf.if %cond3A_35 {
      "tpu.region"() ({
        %run_scoped3A = tpu.sem_alloc : memref<!tpu.dma_semaphore, #tpu.memory_space<semaphore_mem>>
        %dma_start3A = arith.constant 0 : i32
        %dma_start3A_36 = arith.constant 0 : i32
        %dma_start3A_37 = tpu.memref_slice %arg4[%arg0, %dma_start3A, %dma_start3A_36] : memref<2x10000x128xf32, #tpu.memory_space<hbm>> -> memref<1x10000x128xf32, #tpu.memory_space<hbm>>
        %dma_start3A_38 = tpu.memref_squeeze %dma_start3A_37 : memref<1x10000x128xf32, #tpu.memory_space<hbm>> -> memref<10000x128xf32, #tpu.memory_space<hbm>>
        %dma_start3A_39 = arith.constant 0 : i32
        %dma_start3A_40 = tpu.memref_slice %dma_start3A_38[%mul3A_25, %dma_start3A_39] : memref<10000x128xf32, #tpu.memory_space<hbm>> -> memref<400x128xf32, #tpu.memory_space<hbm>>
        %dma_start3A_41 = arith.constant 0 : i32
        %dma_start3A_42 = tpu.memref_slice %arg8[%mul3A_25, %dma_start3A_41] : memref<10008x128xf32, #tpu.memory_space<vmem_shared>> -> memref<400x128xf32, #tpu.memory_space<vmem_shared>>
        tpu.enqueue_dma source(%dma_start3A_42 : memref<400x128xf32, #tpu.memory_space<vmem_shared>>) target(%dma_start3A_40 : memref<400x128xf32, #tpu.memory_space<hbm>>) target_semaphore(%run_scoped3A : memref<!tpu.dma_semaphore, #tpu.memory_space<semaphore_mem>>)
        %dma_wait3A = arith.constant 0 : i32
        %dma_wait3A_43 = arith.constant 0 : i32
        %dma_wait3A_44 = tpu.memref_slice %arg4[%arg0, %dma_wait3A, %dma_wait3A_43] : memref<2x10000x128xf32, #tpu.memory_space<hbm>> -> memref<1x10000x128xf32, #tpu.memory_space<hbm>>
        %dma_wait3A_45 = tpu.memref_squeeze %dma_wait3A_44 : memref<1x10000x128xf32, #tpu.memory_space<hbm>> -> memref<10000x128xf32, #tpu.memory_space<hbm>>
        %dma_wait3A_46 = arith.constant 0 : i32
        %dma_wait3A_47 = tpu.memref_slice %dma_wait3A_45[%mul3A_25, %dma_wait3A_46] : memref<10000x128xf32, #tpu.memory_space<hbm>> -> memref<400x128xf32, #tpu.memory_space<hbm>>
        %dma_wait3A_48 = arith.constant 0 : i32
        %dma_wait3A_49 = tpu.memref_slice %arg8[%mul3A_25, %dma_wait3A_48] : memref<10008x128xf32, #tpu.memory_space<vmem_shared>> -> memref<400x128xf32, #tpu.memory_space<vmem_shared>>
        tpu.wait_dma2 semaphore(%run_scoped3A : memref<!tpu.dma_semaphore, #tpu.memory_space<semaphore_mem>>) src(%dma_wait3A_49 : memref<400x128xf32, #tpu.memory_space<vmem_shared>>) dst(%dma_wait3A_47 : memref<400x128xf32, #tpu.memory_space<hbm>>)
        tpu.yield
      }) : () -> ()
    } else {
    }
    return
  }
}

module attributes {stable_mosaic.version = 14 : i64} {
  func.func @_mm_body(%arg0: i32, %arg1: memref<2000x256xf32, #tpu.memory_space<vmem>>, %arg2: memref<256x256xf32, #tpu.memory_space<vmem>>, %arg3: memref<2000x256xf32, #tpu.memory_space<vmem>>) attributes {dimension_semantics = [#tpu.dimension_semantics<arbitrary>], iteration_bounds = array<i64: 5>, scalar_prefetch = 0 : i64, scratch_operands = 0 : i64, tpu.core_type = #tpu.core_type<tc>, window_params = [{transform_indices = @transform_0, window_bounds = array<i64: 2000, 256>}, {pipeline_mode = #tpu.pipeline_mode<synchronous>, transform_indices = @transform_1, window_bounds = array<i64: 256, 256>}, {transform_indices = @transform_2, window_bounds = array<i64: 2000, 256>}]} {
    %get3A = arith.constant 0 : index
    %get3A_0 = arith.constant 0 : index
    %get3A_1 = vector.load %arg1[%get3A, %get3A_0] : memref<2000x256xf32, #tpu.memory_space<vmem>>, vector<2000x256xf32>
    %get3A_2 = arith.constant 0 : index
    %get3A_3 = arith.constant 0 : index
    %get3A_4 = vector.load %arg2[%get3A_2, %get3A_3] : memref<256x256xf32, #tpu.memory_space<vmem>>, vector<256x256xf32>
    %dot_general3A = arith.constant dense<0.000000e+00> : vector<2000x256xf32>
    %dot_general3A_5 = tpu.matmul %get3A_1, %get3A_4, %dot_general3A {dimension_numbers = #tpu.dot_dimension_numbers<[1], [0], [0], [1], [0, 0, 1, 1], [], []>, precision = #tpu.contract_precision<fp32>, transpose_lhs_hint = false} : vector<2000x256xf32>, vector<256x256xf32>, vector<2000x256xf32> -> vector<2000x256xf32>
    %swap3A = arith.constant 0 : index
    %swap3A_6 = arith.constant 0 : index
    %swap3A_7 = vector.load %arg3[%swap3A, %swap3A_6] : memref<2000x256xf32, #tpu.memory_space<vmem>>, vector<2000x256xf32>
    tpu.vector_store %arg3[%swap3A, %swap3A_6], %dot_general3A_5 {strides = array<i32>} : memref<2000x256xf32, #tpu.memory_space<vmem>>, vector<2000x256xf32>,
    return
  }
  func.func @transform_0(%arg0: i32) -> (i32, i32) {
    %c0_i32 = arith.constant 0 : i32
    %c0_i32_0 = arith.constant 0 : i32
    return %arg0, %c0_i32 : i32, i32
  }
  func.func @transform_1(%arg0: i32) -> (i32, i32) {
    %c0_i32 = arith.constant 0 : i32
    %c0_i32_0 = arith.constant 0 : i32
    %c0_i32_1 = arith.constant 0 : i32
    return %c0_i32, %c0_i32_0 : i32, i32
  }
  func.func @transform_2(%arg0: i32) -> (i32, i32) {
    %c0_i32 = arith.constant 0 : i32
    %c0_i32_0 = arith.constant 0 : i32
    return %arg0, %c0_i32 : i32, i32
  }
}

module attributes {stable_mosaic.version = 14 : i64} {
  func.func @_scale_body(%arg0: i32, %arg1: memref<2000x256xf32, #tpu.memory_space<vmem>>, %arg2: memref<2x2000x128xf32, #tpu.memory_space<vmem>>, %arg3: memref<2x2000x128xf32, #tpu.memory_space<vmem>>) attributes {dimension_semantics = [#tpu.dimension_semantics<arbitrary>], iteration_bounds = array<i64: 5>, scalar_prefetch = 0 : i64, scratch_operands = 0 : i64, tpu.core_type = #tpu.core_type<tc>, window_params = [{transform_indices = @transform_0, window_bounds = array<i64: 2000, 256>}, {transform_indices = @transform_1, window_bounds = array<i64: 2, 2000, 128>}, {transform_indices = @transform_2, window_bounds = array<i64: 2, 2000, 128>}]} {
    %get3A = arith.constant 0 : index
    %get3A_0 = arith.constant 0 : index
    %get3A_1 = arith.constant 0 : index
    %get3A_2 = vector.load %arg2[%get3A, %get3A_0, %get3A_1] : memref<2x2000x128xf32, #tpu.memory_space<vmem>>, vector<1x2000x1xf32>
    %get3A_3 = vector.shape_cast %get3A_2 : vector<1x2000x1xf32> to vector<2000x1xf32>
    %get3A_4 = arith.constant 1 : index
    %get3A_5 = arith.constant 0 : index
    %get3A_6 = arith.constant 0 : index
    %get3A_7 = vector.load %arg2[%get3A_4, %get3A_5, %get3A_6] : memref<2x2000x128xf32, #tpu.memory_space<vmem>>, vector<1x2000x1xf32>
    %get3A_8 = vector.shape_cast %get3A_7 : vector<1x2000x1xf32> to vector<2000x1xf32>
    %add3A = arith.addf %get3A_3, %get3A_8 : vector<2000x1xf32>
    %add3A_9 = arith.constant 1.000000e+00 : f32
    %add3A_10 = vector.broadcast %add3A_9 : f32 to vector<2000x1xf32>
    %add3A_11 = arith.addf %add3A, %add3A_10 : vector<2000x1xf32>
    %get3A_12 = arith.constant 0 : index
    %get3A_13 = arith.constant 0 : index
    %get3A_14 = vector.load %arg1[%get3A_12, %get3A_13] : memref<2000x256xf32, #tpu.memory_space<vmem>>, vector<2000x256xf32>
    %rsqrt3A = math.rsqrt %add3A_11 : vector<2000x1xf32>
    %mul3A = vector.broadcast %rsqrt3A : vector<2000x1xf32> to vector<2000x256xf32>
    %mul3A_15 = arith.mulf %get3A_14, %mul3A : vector<2000x256xf32>
    %slice3A = vector.extract_strided_slice %mul3A_15 {offsets = [0, 0], sizes = [2000, 128], strides = [1, 1]} : vector<2000x256xf32> to vector<2000x128xf32>
    %swap3A = arith.constant 0 : index
    %swap3A_16 = arith.constant 0 : index
    %swap3A_17 = arith.constant 0 : index
    %swap3A_18 = vector.load %arg3[%swap3A, %swap3A_16, %swap3A_17] : memref<2x2000x128xf32, #tpu.memory_space<vmem>>, vector<1x2000x128xf32>
    %swap3A_19 = vector.shape_cast %swap3A_18 : vector<1x2000x128xf32> to vector<2000x128xf32>
    %swap3A_20 = vector.shape_cast %slice3A : vector<2000x128xf32> to vector<1x2000x128xf32>
    tpu.vector_store %arg3[%swap3A, %swap3A_16, %swap3A_17], %swap3A_20 {strides = array<i32>} : memref<2x2000x128xf32, #tpu.memory_space<vmem>>, vector<1x2000x128xf32>,
    %slice3A_21 = vector.extract_strided_slice %mul3A_15 {offsets = [0, 128], sizes = [2000, 128], strides = [1, 1]} : vector<2000x256xf32> to vector<2000x128xf32>
    %swap3A_22 = arith.constant 1 : index
    %swap3A_23 = arith.constant 0 : index
    %swap3A_24 = arith.constant 0 : index
    %swap3A_25 = vector.load %arg3[%swap3A_22, %swap3A_23, %swap3A_24] : memref<2x2000x128xf32, #tpu.memory_space<vmem>>, vector<1x2000x128xf32>
    %swap3A_26 = vector.shape_cast %swap3A_25 : vector<1x2000x128xf32> to vector<2000x128xf32>
    %swap3A_27 = vector.shape_cast %slice3A_21 : vector<2000x128xf32> to vector<1x2000x128xf32>
    tpu.vector_store %arg3[%swap3A_22, %swap3A_23, %swap3A_24], %swap3A_27 {strides = array<i32>} : memref<2x2000x128xf32, #tpu.memory_space<vmem>>, vector<1x2000x128xf32>,
    return
  }
  func.func @transform_0(%arg0: i32) -> (i32, i32) {
    %c0_i32 = arith.constant 0 : i32
    %c0_i32_0 = arith.constant 0 : i32
    return %arg0, %c0_i32 : i32, i32
  }
  func.func @transform_1(%arg0: i32) -> (i32, i32, i32) {
    %c0_i32 = arith.constant 0 : i32
    %c0_i32_0 = arith.constant 0 : i32
    %c0_i32_1 = arith.constant 0 : i32
    return %c0_i32, %arg0, %c0_i32_0 : i32, i32, i32
  }
  func.func @transform_2(%arg0: i32) -> (i32, i32, i32) {
    %c0_i32 = arith.constant 0 : i32
    %c0_i32_0 = arith.constant 0 : i32
    %c0_i32_1 = arith.constant 0 : i32
    return %c0_i32, %arg0, %c0_i32_0 : i32, i32, i32
  }
}

module attributes {stable_mosaic.version = 14 : i64} {
  func.func @_fin_body(%arg0: i32, %arg1: memref<2x2000x128xf32, #tpu.memory_space<vmem>>, %arg2: memref<2x2000x128xf32, #tpu.memory_space<vmem>>, %arg3: memref<1x256xf32, #tpu.memory_space<vmem>>, %arg4: memref<2000x256xf32, #tpu.memory_space<vmem>>) attributes {dimension_semantics = [#tpu.dimension_semantics<arbitrary>], iteration_bounds = array<i64: 5>, scalar_prefetch = 0 : i64, scratch_operands = 0 : i64, tpu.core_type = #tpu.core_type<tc>, window_params = [{transform_indices = @transform_0, window_bounds = array<i64: 2, 2000, 128>}, {transform_indices = @transform_1, window_bounds = array<i64: 2, 2000, 128>}, {pipeline_mode = #tpu.pipeline_mode<synchronous>, transform_indices = @transform_2, window_bounds = array<i64: 1, 256>}, {transform_indices = @transform_3, window_bounds = array<i64: 2000, 256>}]} {
    %get3A = arith.constant 0 : index
    %get3A_0 = arith.constant 0 : index
    %get3A_1 = arith.constant 0 : index
    %get3A_2 = vector.load %arg2[%get3A, %get3A_0, %get3A_1] : memref<2x2000x128xf32, #tpu.memory_space<vmem>>, vector<1x2000x1xf32>
    %get3A_3 = vector.shape_cast %get3A_2 : vector<1x2000x1xf32> to vector<2000x1xf32>
    %get3A_4 = arith.constant 1 : index
    %get3A_5 = arith.constant 0 : index
    %get3A_6 = arith.constant 0 : index
    %get3A_7 = vector.load %arg2[%get3A_4, %get3A_5, %get3A_6] : memref<2x2000x128xf32, #tpu.memory_space<vmem>>, vector<1x2000x1xf32>
    %get3A_8 = vector.shape_cast %get3A_7 : vector<1x2000x1xf32> to vector<2000x1xf32>
    %add3A = arith.addf %get3A_3, %get3A_8 : vector<2000x1xf32>
    %add3A_9 = arith.constant 1.000000e+00 : f32
    %add3A_10 = vector.broadcast %add3A_9 : f32 to vector<2000x1xf32>
    %add3A_11 = arith.addf %add3A, %add3A_10 : vector<2000x1xf32>
    %get3A_12 = arith.constant 0 : index
    %get3A_13 = arith.constant 0 : index
    %get3A_14 = arith.constant 0 : index
    %get3A_15 = vector.load %arg1[%get3A_12, %get3A_13, %get3A_14] : memref<2x2000x128xf32, #tpu.memory_space<vmem>>, vector<1x2000x128xf32>
    %get3A_16 = vector.shape_cast %get3A_15 : vector<1x2000x128xf32> to vector<2000x128xf32>
    %get3A_17 = arith.constant 1 : index
    %get3A_18 = arith.constant 0 : index
    %get3A_19 = arith.constant 0 : index
    %get3A_20 = vector.load %arg1[%get3A_17, %get3A_18, %get3A_19] : memref<2x2000x128xf32, #tpu.memory_space<vmem>>, vector<1x2000x128xf32>
    %get3A_21 = vector.shape_cast %get3A_20 : vector<1x2000x128xf32> to vector<2000x128xf32>
    %concatenate3A = tpu.concatenate %get3A_16, %get3A_21 in 1 : vector<2000x128xf32>, vector<2000x128xf32> -> vector<2000x256xf32>
    %rsqrt3A = math.rsqrt %add3A_11 : vector<2000x1xf32>
    %mul3A = vector.broadcast %rsqrt3A : vector<2000x1xf32> to vector<2000x256xf32>
    %mul3A_22 = arith.mulf %concatenate3A, %mul3A : vector<2000x256xf32>
    %get3A_23 = arith.constant 0 : index
    %get3A_24 = arith.constant 0 : index
    %get3A_25 = vector.load %arg3[%get3A_23, %get3A_24] : memref<1x256xf32, #tpu.memory_space<vmem>>, vector<1x256xf32>
    %add3A_26 = vector.broadcast %get3A_25 : vector<1x256xf32> to vector<2000x256xf32>
    %add3A_27 = arith.addf %mul3A_22, %add3A_26 : vector<2000x256xf32>
    %reduce_max3A = arith.constant dense<0xFF800000> : vector<2000xf32>
    %reduce_max3A_28 = vector.multi_reduction <maximumf>, %add3A_27, %reduce_max3A [1] : vector<2000x256xf32> to vector<2000xf32>
    %broadcast_in_dim3A = vector.shape_cast %reduce_max3A_28 : vector<2000xf32> to vector<2000x1xf32>
    %sub3A = vector.broadcast %broadcast_in_dim3A : vector<2000x1xf32> to vector<2000x256xf32>
    %sub3A_29 = arith.subf %add3A_27, %sub3A : vector<2000x256xf32>
    %exp3A = math.exp %sub3A_29 : vector<2000x256xf32>
    %reduce_sum3A = arith.constant dense<0.000000e+00> : vector<2000xf32>
    %reduce_sum3A_30 = vector.multi_reduction <add>, %exp3A, %reduce_sum3A [1] : vector<2000x256xf32> to vector<2000xf32>
    %broadcast_in_dim3A_31 = vector.shape_cast %reduce_sum3A_30 : vector<2000xf32> to vector<2000x1xf32>
    %log3A = math.log %broadcast_in_dim3A_31 : vector<2000x1xf32>
    %sub3A_32 = vector.broadcast %broadcast_in_dim3A : vector<2000x1xf32> to vector<2000x256xf32>
    %sub3A_33 = arith.subf %add3A_27, %sub3A_32 : vector<2000x256xf32>
    %sub3A_34 = vector.broadcast %log3A : vector<2000x1xf32> to vector<2000x256xf32>
    %sub3A_35 = arith.subf %sub3A_33, %sub3A_34 : vector<2000x256xf32>
    %swap3A = arith.constant 0 : index
    %swap3A_36 = arith.constant 0 : index
    %swap3A_37 = vector.load %arg4[%swap3A, %swap3A_36] : memref<2000x256xf32, #tpu.memory_space<vmem>>, vector<2000x256xf32>
    tpu.vector_store %arg4[%swap3A, %swap3A_36], %sub3A_35 {strides = array<i32>} : memref<2000x256xf32, #tpu.memory_space<vmem>>, vector<2000x256xf32>,
    return
  }
  func.func @transform_0(%arg0: i32) -> (i32, i32, i32) {
    %c0_i32 = arith.constant 0 : i32
    %c0_i32_0 = arith.constant 0 : i32
    %c0_i32_1 = arith.constant 0 : i32
    return %c0_i32, %arg0, %c0_i32_0 : i32, i32, i32
  }
  func.func @transform_1(%arg0: i32) -> (i32, i32, i32) {
    %c0_i32 = arith.constant 0 : i32
    %c0_i32_0 = arith.constant 0 : i32
    %c0_i32_1 = arith.constant 0 : i32
    return %c0_i32, %arg0, %c0_i32_0 : i32, i32, i32
  }
  func.func @transform_2(%arg0: i32) -> (i32, i32) {
    %c0_i32 = arith.constant 0 : i32
    %c0_i32_0 = arith.constant 0 : i32
    %c0_i32_1 = arith.constant 0 : i32
    return %c0_i32, %c0_i32_0 : i32, i32
  }
  func.func @transform_3(%arg0: i32) -> (i32, i32) {
    %c0_i32 = arith.constant 0 : i32
    %c0_i32_0 = arith.constant 0 : i32
    return %arg0, %c0_i32 : i32, i32
  }
}

</mosaic_0001>

<sc_bundles>
// kernel: kernel.10.cloned.1.call-start
scs
__scs_entry_jumppad:
0x0: {  	(pc) =	sbr.rel $0x88, $3  }
0x1: {  	(tag) =	ssettag $0x0;
	lr =	simm.s32 $0x1  }
0x2: {  	[smem:$0x3F9D] =	sst lr;
	_ =	strace $0xD0000000  }
0x3: {  	_ = 	snop  }
0x4: {  	_ = 	snop  }
0x5: {  	_ = 	snop  }
0x6: {  	_ = 	snop  }
0x7: {  	_ = 	snop  }
__scs_overlays_trampoline_lowered:
0x8: {  	[smem:$0x3FAC] =	sst s0  }
0x9: {  	[smem:$0x3FAD] =	sst s1  }
0xa: {  	[smem:$0x3FAE] =	sst s2  }
0xb: {  	[smem:$0x3FAF] =	sst s3  }
0xc: {  	[smem:$0x3FB0] =	sst s4  }
0xd: {  	[smem:$0x3FB1] =	sst s5  }
0xe: {  	[smem:$0x3FB2] =	sst s6  }
0xf: {  	[smem:$0x3FB3] =	sst s7  }
0x10: {  	[smem:$0x3FB4] =	sst s8  }
0x11: {  	[smem:$0x3FB5] =	sst s9;
	s0 =	simm.s32 @!p0 $0x0  }
0x12: {  	s1 =	sld [smem:$0x3F9B];
	s0 =	simm.s32 @p0 $0x1  }
0x13: {  	[smem:$0x3FB6] =	sst s0;
	s0 =	simm.s32 @!p1 $0x0  }
0x14: {  	s2 =	sld [smem:$0x3F9A];
	s0 =	simm.s32 @p1 $0x1  }
0x15: {  	[smem:$0x3FB7] =	sst s0;
	s0 =	simm.s32 @!p2 $0x0  }
0x16: {  	s3 =	sld [smem:$0x3FDB];
	s0 =	simm.s32 @p2 $0x1  }
0x17: {  	s4 =	simm.s32 $0x1BF5;
	[smem:$0x3FB9] =	sst s0  }
0x18: {  	s0 =	sld [smem:$0x3F9C];
	_ =	swait.ge [sflag:s4], $0x0  }
0x19: {  	s7 =	sld [smem:$0x3F9D]  }
0x1a: {  	s8 =	sadd.s32 $0xFFFFE003, lr  }
0x1b: {  	s9 =	sadd.s32 $0xFFFFFEF7, lr;
	s5 =	simm.s32 $0xFFFFFFFF;
	p2 =	slt.u32 s8, $0xFFFFF086  }
0x1c: {  	p1 =	slt.u32 s9, $0xF7A;
	s5 =	simm.s32 @!p2 $0x0  }
0x1d: {  	s5 =	simm.s32 @p1 $0x1;
	p0 =	seq.s32 s7, s2  }
0x1e: {  	s7 =	smul.u32 @!p0 $0xF7A, s2;
	p2 =	seq.s32 @!p0 s5, $0x0  }
0x1f: {  	s9 =	smul.u32 $0xF7A, s1;
	s8 =	simm.s32 @!p0 $0x1BF5;
	p2 =	por !p2, p0  }
0x20: {  	[sflag:s8] =	ssyncset.s32 @!p0 $0xFFFFF086;
	s6 =	sadd.s32 @!p0 s3, s7;
	s7 =	simm.s32 @!p0 $0x108  }
0x21: {  	s3 =	sadd.s32 s3, s9;
	s6 =	sadd.s32 @!p0 $0x88, s6;
	s7 =	simm.s32 @p2 $0x1082  }
0x22: {  	[simem:s7], [sflag:s8] =	dma.local @!p0 [hbm:s6], $0xF7A  }
0x23: {  	s9 =	sor.u32 $0xD0000000, s2;
	s6 =	simm.s32 $0x108;
	_ =	swait.ge @!p0 [sflag:s8], $0x0  }
0x24: {  	s3 =	sadd.s32 $0x88, s3;
	s6 =	simm.s32 @!p1 $0x1082;
	[sflag:s4] =	ssyncset.s32 $0xFFFFF086  }
0x25: {  	[simem:s6], [sflag:s4] =	dma.local [hbm:s3], $0xF7A  }
0x26: {  	[smem:$0x3F9D] =	sst s1;
	(tag) =	ssettag s2;
	_ =	strace s9  }
0x27: {  	s1 =	sld [smem:$0x3FAD]  }
0x28: {  	s2 =	sld [smem:$0x3FAE]  }
0x29: {  	s4 =	sld [smem:$0x3FB0]  }
0x2a: {  	p0 =	seq.s32 s5, $0x0;
	s5 =	sld [smem:$0x3FB1]  }
0x2b: {  	s6 =	sld [smem:$0x3FB2]  }
0x2c: {  	s7 =	sld [smem:$0x3FB3]  }
0x2d: {  	s3 =	simm.s32 $0x108;
	s8 =	sld [smem:$0x3FB4]  }
0x2e: {  	s3 =	simm.s32 @!p0 $0x1082;
	s9 =	sld [smem:$0x3FB5]  }
0x2f: {  	lr =	sadd.s32 s0, s3;
	s0 =	sld [smem:$0x3FAC]  }
0x30: {  	s3 =	sld [smem:$0x3FAF]  }
0x31: {  	[smem:$0x3FB8] =	sst s10  }
0x32: {  	s10 =	sld [smem:$0x3FB6];
	_ =	sdelay $0x3  }
0x33: {  	p0 =	seq.s32 s10, $0x1;
	s10 =	sld [smem:$0x3FB8];
	_ =	sdelay $0x3  }
0x34: {  	[smem:$0x3FB8] =	sst s10  }
0x35: {  	s10 =	sld [smem:$0x3FB7];
	_ =	sdelay $0x3  }
0x36: {  	p1 =	seq.s32 s10, $0x1;
	s10 =	sld [smem:$0x3FB8];
	_ =	sdelay $0x3  }
0x37: {  	[smem:$0x3FB8] =	sst s10  }
0x38: {  	s10 =	sld [smem:$0x3FB9]  }
0x39: {  	_ = 	snop;
	(pc) =	sbr.ind lr, $3  }
0x3a: {  	_ = 	snop  }
0x3b: {  	_ = 	snop  }
0x3c: {  	p2 =	seq.s32 s10, $0x1;
	s10 =	sld [smem:$0x3FB8]  }
0x3d: {  	_ =	shalt  }
0x3e: {  	_ =	shalt  }
0x3f: {  	_ =	shalt  }
0x40: {  	_ =	shalt  }
0x41: {  	_ =	shalt  }
0x42: {  	_ =	shalt  }
0x43: {  	_ =	shalt  }
0x44: {  	_ =	shalt  }
0x45: {  	_ =	shalt  }
0x46: {  	_ =	shalt  }
0x47: {  	_ =	shalt  }
0x48: {  	_ =	shalt  }
0x49: {  	_ =	shalt  }
0x4a: {  	_ =	shalt  }
0x4b: {  	_ =	shalt  }
0x4c: {  	_ =	shalt  }
0x4d: {  	_ =	shalt  }
0x4e: {  	_ =	shalt  }
0x4f: {  	_ =	shalt  }
0x50: {  	_ =	shalt  }
0x51: {  	_ =	shalt  }
0x52: {  	_ =	shalt  }
0x53: {  	_ =	shalt  }
0x54: {  	_ =	shalt  }
0x55: {  	_ =	shalt  }
0x56: {  	_ =	shalt  }
0x57: {  	_ =	shalt  }
0x58: {  	_ =	shalt  }
0x59: {  	_ =	shalt  }
0x5a: {  	_ =	shalt  }
0x5b: {  	_ =	shalt  }
0x5c: {  	_ =	shalt  }
0x5d: {  	_ =	shalt  }
0x5e: {  	_ =	shalt  }
0x5f: {  	_ =	shalt  }
0x60: {  	_ =	shalt  }
0x61: {  	_ =	shalt  }
0x62: {  	_ =	shalt  }
0x63: {  	_ =	shalt  }
0x64: {  	_ =	shalt  }
0x65: {  	_ =	shalt  }
0x66: {  	_ =	shalt  }
0x67: {  	_ =	shalt  }
0x68: {  	_ =	shalt  }
0x69: {  	_ =	shalt  }
0x6a: {  	_ =	shalt  }
0x6b: {  	_ =	shalt  }
0x6c: {  	_ =	shalt  }
0x6d: {  	_ =	shalt  }
0x6e: {  	_ =	shalt  }
0x6f: {  	_ =	shalt  }
0x70: {  	_ =	shalt  }
0x71: {  	_ =	shalt  }
0x72: {  	_ =	shalt  }
0x73: {  	_ =	shalt  }
0x74: {  	_ =	shalt  }
0x75: {  	_ =	shalt  }
0x76: {  	_ =	shalt  }
0x77: {  	_ =	shalt  }
0x78: {  	_ =	shalt  }
0x79: {  	_ =	shalt  }
0x7a: {  	_ =	shalt  }
0x7b: {  	_ =	shalt  }
0x7c: {  	_ =	shalt  }
0x7d: {  	_ =	shalt  }
0x7e: {  	_ =	shalt  }
0x7f: {  	_ =	shalt  }
0x80: {  	_ =	shalt  }
0x81: {  	_ =	shalt  }
0x82: {  	_ =	shalt  }
0x83: {  	_ =	shalt  }
0x84: {  	_ =	shalt  }
0x85: {  	_ =	shalt  }
0x86: {  	_ =	shalt  }
0x87: {  	_ =	shalt  }
.Lfunc_end0:
.L_simem_size_0:
called_computation.1_lowered:
.L_overlay_start_0:
0x88: {  	s2 =	sld [smem:$0x3FD9]  }
0x89: {  	s3 =	sld [smem:$0x3FFE];
	_ =	sdelay $0x1  }
0x8a: {  	s1 =	srdreg.scid  }
0x8b: {  	s0 =	sand.u32 $0x1, s1  }
0x8c: {  	s17 =	sshll.u32 s0, $0xA;
	s2 =	sadd.s32 s3, s2  }
0x8d: {  	s2 =	sadd.s32 s2, s17  }
0x8e: {  	[smem:$0x3FC4] =	sst s2  }
0x8f: {  	_ = 	snop  }
0x90: {  	s2 =	sld [smem:$0x3FD0];
	(tm) =	ssettm $0x1  }
0x91: {  	s18 =	sld [smem:$0x3FFB];
	_ =	sdelay $0x3  }
0x92: {  	_ =	strace s18  }
0x93: {  	s3 =	sld [smem:$0x3FFC];
	_ =	sdelay $0x3  }
0x94: {  	_ =	strace s3  }
0x95: {  	s3 =	sld [smem:$0x3FFD];
	_ =	sdelay $0x3  }
0x96: {  	_ =	strace s3  }
0x97: {  	_ =	strace $0x8FFFFFFF  }
0x98: {  	s19 =	sld [smem:$0x3FDB];
	_ =	sdelay $0x1  }
0x99: {  	s4 =	simm.s32 $_scs_section_size  }
0x9a: {  	s5 =	simm.s32 $_size__tile_overlayer_lowered;
	s6 =	simm.s32 $_tile_overlayer_lowered  }
0x9b: {  	s22 =	simm.s32 $0x1BFF;
	s21 =	sshll.u32 s6, $0x1;
	s3 =	sadd.s32 s4, s19  }
0x9c: {  	s7 =	simm.s32 $0x0;
	s20 =	sshll.u32 s5, $0x1;
	s5 =	sadd.s32 s21, s3  }
0x9d: {  	[timem:s7], [sflag:s22] =	dma.local [hbm:s5], s20  }
0x9e: {  	_ =	swait.ge [sflag:s22], s20  }
0x9f: {  	s4 =	ssub.s32 $0x0, s20;
	[sflag:s22] =	ssyncset.done $0x0  }
0xa0: {  	[sflag:s22] =	ssyncadd.s32 s4;
	_ =	sdelay $0x1  }
0xa1: {  	s23 =	simm.s32 $0x1B8B  }
0xa2: {  	_ =	swait.ge [sflag:s23], $0x1  }
0xa3: {  	[sflag:s23] =	ssyncset.done $0x0  }
0xa4: {  	s25 =	simm.s32 $0x1B8E;
	s24 =	sld [smem:$0x3FFE];
	[sflag:s23] =	ssyncadd.s32 $0xFFFFFFFF  }
0xa5: {  	s26 =	simm.s32 $execute0_lowered;
	[smem:$0x3FD2] =	sst s25  }
0xa6: {  	s5 =	sshll.u32 s26, $0x1;
	_ =	strace $0x80000049;
	[dreg:$0x1] =	wrdreg $0xFFFFFFFF  }
0xa7: {  	s28 =	simm.s32 $_size_execute0_lowered;
	s3 =	sadd.s32 s3, s5;
	[dreg:$0x0] =	wrdreg $0x0  }
0xa8: {  	s5 =	sshll.u32 s28, $0x1;
	[dreg:$0x2] =	wrdreg s3  }
0xa9: {  	[dreg:$0x3] =	wrdreg s5  }
0xaa: {  	[dreg:$0x4] =	wrdreg $0xC0  }
0xab: {  	_ =	task [dreg:s7], $0x5FFFF  }
0xac: {  	[dreg:$0x1] =	wrdreg $0xFFFFFFFF  }
0xad: {  	[dreg:$0x0] =	wrdreg $0x60  }
0xae: {  	[dreg:$0x2] =	wrdreg s2  }
0xaf: {  	[dreg:$0x3] =	wrdreg s24  }
0xb0: {  	[dreg:$0x4] =	wrdreg $0xA8000  }
0xb1: {  	[dreg:$0x5] =	wrdreg $0x9  }
0xb2: {  	_ =	task.clear_ibuf [dreg:s7], $0x6FFFF;
	_ =	strace $0x90000049  }
0xb3: {  	s29 =	simm.s32 $0x9;
	_ =	strace $0x8000004B  }
0xb4: {  	_ =	swait.ge [sflag:s29], $0x1  }
0xb5: {  	[sflag:s29] =	ssyncadd.s32 $0xFFFFFFFF  }
0xb6: {  	_ =	strace $0x9000004B  }
0xb7: {  	_ =	sfence  }
0xb8: {  	s30 =	sld [smem:$0x0];
	_ =	sdelay $0x2  }
0xb9: {  	s31 =	sshll.u32 s1, $0xD;
	s1 =	sshrl.u32 s1, $0x2  }
0xba: {  	s3 =	sand.u32 $0x4000, s31;
	s1 =	sadd.s32 s1, s30  }
0xbb: {  	s0 =	sor.u32 s3, s0;
	s1 =	sshll.u32 s1, $0x11  }
0xbc: {  	s0 =	sor.u32 s1, s0  }
0xbd: {  	s0 =	sadd.s32 $0x8F2B, s0  }
0xbe: {  	[sflag:s0] =	ssyncadd.remote.s32 $0x1  }
0xbf: {  	_ =	sfence.sel $0xFFFF  }
0xc0: {  	[dreg:$0x0] =	wrdreg $0xFFFFFFFF;
	(pc) =	sbr.abs _section_cstart, $3  }
0xc1: {  	[dreg:$0x1] =	wrdreg $0xFFFFFFFF  }
0xc2: {  	_ =	task.clear_ibuf [dreg:s7], $0x2FFFF;
	_ =	strace $0x9FFFFFFF  }
0xc3: {  	(tm) =	ssettm $0x7FFFFFFF  }
tec
execute0_lowered:
.L_overlay_start_1:
0x0: {  	(tag) =	ssettag $0x1  }
0x1: {  	s5 =	rddreg [dreg:$0x0]  }
0x2: {  	s4 =	rddreg [dreg:$0x1]  }
0x3: {  	s1 =	rddreg [dreg:$0x2]  }
0x4: {  	s0 =	rddreg [dreg:$0x3];
	s2 =	simm.s32 $0x0  }
0x5: {  	s3 =	srdreg.scid;
	s15 =	simm.s32 $0x1400;
	s16 =	simm.s32 $0x28000  }
0x6: {  	s17 =	simm.s32 $0x5;
	s18 =	simm.s32 $0x80;
	s19 =	simm.s32 $0x2800  }
0x7: {  	s20 =	simm.s32 $0x6800;
	s21 =	simm.s32 $0x1;
	s22 =	simm.s32 $0x2  }
0x8: {  	s23 =	simm.s32 $0x3;
	s24 =	simm.s32 $0x4;
	s25 =	simm.s32 $0x0  }
0x9: {  	[smem:$0x7FF] =	sst s2;
	s6 =	sand.u32 $0x1, s3;
	s3 =	stileid.u32  }
0xa: {  	s8 =	sadd.s32 $0x2800, s4;
	s12 =	sadd.s32 $0x12C000, s1;
	s7 =	smul.u32 $0x27100, s6  }
0xb: {  	_ =	strace $0x8000004A;
	s6 =	ssub.s32 $0x2, s6;
	s9 =	smul.u32 $0x50000, s3  }
0xc: {  	s30 =	smul.u32 $0x500, s3;
	p0 =	seq.s32 s3, $0xF;
	s11 =	sshrl.u32 s6, $0x1  }
0xd: {  	s13 =	sshll.u32 @!p0 s3, $0x6;
	s12 =	sshrl.u32 @p0 s12, $0x3;
	s10 =	sadd.s32 s7, s4  }
0xe: {  	s4 =	smul.u32 $0x2800, s3;
	s11 =	ssub.s32 s6, s11;
	s29 =	sshrl.u32 s9, $0x2  }
0xf: {  	s5 =	sadd.s32 s5, s7;
	s6 =	sadd.s32 s8, s30;
	s13 =	sor.u32 @!p0 $0x1C05, s13  }
0x10: {  	s14 =	sadd.s32 s29, s1;
	s9 =	smax.u32 s11, $0x1;
	s31 =	sshrl.u32 s4, $0x3  }
0x11: {  	s11 =	sadd.s32 $0x25800, s5;
	s14 =	sshrl.u32 @!p0 s14, $0x3;
	s7 =	sadd.s32 s8, s31  }
0x12: {  	s8 =	sadd.s32 $0x5B200, s10;
	s10 =	sadd.s32 s4, s5;
	s7 =	sadd.s32 $0x280, s7  }
.LBB2_1:
0x13: {  	s26 =	simm.s32 @p0 $0x1FC5  }
0x14: {  	[spmem:s12], [sflag:s26] =	dma.local @p0 [hbm:s11], $0x1900  }
0x15: {  	s26 =	simm.s32 @p0 $0x5  }
0x16: {  	_ =	swait.ge @p0 [sflag:s26], $0x1900  }
0x17: {  	[sflag:s26] =	ssyncset.done @p0 $0x0  }
0x18: {  	[sflag:s26] =	ssyncadd.s32 @p0 $0xFFFFE700;
	s26 =	simm.s32 @!p0 $0x5  }
0x19: {  	[spmem:s14], [sflag:s13] =	dma.local @!p0 [hbm:s10], $0x2800  }
0x1a: {  	_ =	swait.ge @!p0 [sflag:s26], $0x2800  }
0x1b: {  	[sflag:s26] =	ssyncset.done @!p0 $0x0  }
0x1c: {  	[sflag:s26] =	ssyncadd.s32 @!p0 $0xFFFFD800  }
0x1d: {  	[bflag:$0x0] =	sbarrier.arrive $0xFFFF  }
0x1e: {  	[tilespmem:s2], [sflag:$0x5] =	stream.strided.gather [hbm4b:s6+s15], $0x2800, s16, s15, $0x38;
	[tilespmem:$0x1E0C0] =	vst v63  }
0x1f: {  	_ =	swait.ge [sflag:s17], $0x2800  }
0x20: {  	[sflag:s17] =	ssyncset.done $0x0  }
0x21: {  	s31 =	simm.s32 $0x0;
	[sflag:s17] =	ssyncadd.s32 $0xFFFFD800  }
0x22: {  	[tilespmem:s19], [sflag:$0x1] =	stream.indirect.gather [hbm4b:s5+s18], $0x80, s31, s18, $0xb8;
	[tilespmem:$0x1E0C0] =	vst v63  }
0x23: {  	s29 =	simm.s32 $0x80  }
0x24: {  	[tilespmem:s20], [sflag:$0x2] =	stream.indirect.gather [hbm4b:s5+s18], $0x80, s29, s18, $0xb8;
	[tilespmem:$0x1E0C0] =	vst v63  }
0x25: {  	_ =	swait.ge [sflag:s21], $0x4000  }
0x26: {  	[sflag:s21] =	ssyncset.done $0x0  }
0x27: {  	s30 =	simm.s32 $0x1400;
	[sflag:s21] =	ssyncadd.s32 $0xFFFFC000  }
0x28: {  	[spmem:s1] =	stream.indirect.scatter.add.f32 [tilespmem:s19], [sflag:$0x3], $0x80, s30, s18, $0xb8;
	[tilespmem:$0x1E0C0] =	vst v63  }
0x29: {  	_ =	swait.ge [sflag:s22], $0x4000  }
0x2a: {  	[sflag:s22] =	ssyncset.done $0x0  }
0x2b: {  	s31 =	simm.s32 $0x1480;
	[sflag:s22] =	ssyncadd.s32 $0xFFFFC000  }
0x2c: {  	[spmem:s1] =	stream.indirect.scatter.add.f32 [tilespmem:s20], [sflag:$0x4], $0x80, s31, s18, $0xb8;
	[tilespmem:$0x1E0C0] =	vst v63  }
0x2d: {  	_ =	swait.ge [sflag:s23], $0x4000  }
0x2e: {  	[sflag:s23] =	ssyncset.done $0x0  }
0x2f: {  	[sflag:s23] =	ssyncadd.s32 $0xFFFFC000  }
0x30: {  	_ =	swait.ge [sflag:s24], $0x4000  }
0x31: {  	s28 =	simm.s32 $0xA00;
	s26 =	simm.s32 $0x180;
	[sflag:s24] =	ssyncset.done $0x0  }
.LBB2_2:
0x32: {  	s29 =	sadd.s32 $0xFFFFFF80, s26  }
0x33: {  	[sflag:s24] =	ssyncadd.s32 $0xFFFFC000;
	s30 =	smov.u32 s28;
	s31 =	sadd.s32 $0x400, s28  }
0x34: {  	[tilespmem:s19], [sflag:$0x1] =	stream.indirect.gather [hbm4b:s5+s18], $0x80, s29, s18, $0xb8;
	[tilespmem:$0x1E0C0] =	vst v63  }
0x35: {  	p1 =	sne.s32 s28, $0x4E00  }
0x36: {  	[tilespmem:s20], [sflag:$0x2] =	stream.indirect.gather [hbm4b:s5+s18], $0x80, s26, s18, $0xb8;
	[tilespmem:$0x1E0C0] =	vst v63  }
0x37: {  	_ =	swait.ge [sflag:s21], $0x4000  }
0x38: {  	[sflag:s21] =	ssyncset.done $0x0  }
0x39: {  	s28 =	sadd.s32 $0x1380, s26;
	[sflag:s21] =	ssyncadd.s32 $0xFFFFC000  }
0x3a: {  	[spmem:s1] =	stream.indirect.scatter.add.f32 [tilespmem:s19], [sflag:$0x3], $0x80, s28, s18, $0xb8;
	[tilespmem:$0x1E0C0] =	vst v63  }
0x3b: {  	_ =	swait.ge [sflag:s22], $0x4000  }
0x3c: {  	[sflag:s22] =	ssyncset.done $0x0  }
0x3d: {  	s26 =	sadd.s32 $0x1400, s26;
	[sflag:s22] =	ssyncadd.s32 $0xFFFFC000  }
0x3e: {  	[spmem:s1] =	stream.indirect.scatter.add.f32 [tilespmem:s20], [sflag:$0x4], $0x80, s26, s18, $0xb8;
	[tilespmem:$0x1E0C0] =	vst v63  }
.Ltmp0:
0x3f: {  	_ =	swait.ge [sflag:s23], $0x4000;
	(pc) =	sbr.rel @p1 .LBB2_2-.Ltmp0, $4  }
0x40: {  	[sflag:s23] =	ssyncset.done $0x0  }
0x41: {  	[sflag:s23] =	ssyncadd.s32 $0xFFFFC000  }
0x42: {  	_ =	swait.ge [sflag:s24], $0x4000  }
0x43: {  	s28 =	smov.u32 s31;
	s26 =	sshra.s32 s30, $0x2;
	[sflag:s24] =	ssyncset.done $0x0  }
0x44: {  	s28 =	sadd.s32 $0xFFFFFF80, s26;
	[sflag:s24] =	ssyncadd.s32 $0xFFFFC000  }
0x45: {  	[tilespmem:s19], [sflag:$0x1] =	stream.indirect.gather [hbm4b:s5+s18], $0x80, s28, s18, $0xb8;
	[tilespmem:$0x1E0C0] =	vst v63  }
0x46: {  	_ = 	snop  }
0x47: {  	[tilespmem:s20], [sflag:$0x2] =	stream.indirect.gather [hbm4b:s5+s18], $0x80, s26, s18, $0xb8;
	[tilespmem:$0x1E0C0] =	vst v63  }
0x48: {  	_ =	swait.ge [sflag:s21], $0x4000  }
0x49: {  	[sflag:s21] =	ssyncset.done $0x0  }
0x4a: {  	s28 =	sadd.s32 $0x1380, s26;
	[sflag:s21] =	ssyncadd.s32 $0xFFFFC000  }
0x4b: {  	[spmem:s1] =	stream.indirect.scatter.add.f32 [tilespmem:s19], [sflag:$0x3], $0x80, s28, s18, $0xb8;
	[tilespmem:$0x1E0C0] =	vst v63  }
0x4c: {  	_ =	swait.ge [sflag:s22], $0x4000  }
0x4d: {  	[sflag:s22] =	ssyncset.done $0x0  }
0x4e: {  	s30 =	sadd.s32 $0x1400, s26;
	[sflag:s22] =	ssyncadd.s32 $0xFFFFC000  }
0x4f: {  	[spmem:s1] =	stream.indirect.scatter.add.f32 [tilespmem:s20], [sflag:$0x4], $0x80, s30, s18, $0xb8;
	[tilespmem:$0x1E0C0] =	vst v63  }
0x50: {  	_ =	swait.ge [sflag:s23], $0x4000  }
0x51: {  	[sflag:s23] =	ssyncset.done $0x0  }
0x52: {  	[sflag:s23] =	ssyncadd.s32 $0xFFFFC000  }
0x53: {  	_ =	swait.ge [sflag:s24], $0x4000  }
0x54: {  	[sflag:s24] =	ssyncset.done $0x0  }
0x55: {  	[sflag:s24] =	ssyncadd.s32 $0xFFFFC000  }
0x56: {  	[tilespmem:s2], [sflag:$0x5] =	stream.strided.gather [hbm4b:s7+s15], $0x2800, s16, s15, $0x38;
	[tilespmem:$0x1E0C0] =	vst v63  }
0x57: {  	_ =	swait.ge [sflag:s17], $0x2800  }
0x58: {  	[sflag:s17] =	ssyncset.done $0x0  }
0x59: {  	s31 =	simm.s32 $0x0;
	[sflag:s17] =	ssyncadd.s32 $0xFFFFD800  }
0x5a: {  	[tilespmem:s19], [sflag:$0x1] =	stream.indirect.gather [hbm4b:s5+s18], $0x80, s31, s18, $0xb8;
	[tilespmem:$0x1E0C0] =	vst v63  }
0x5b: {  	s29 =	simm.s32 $0x80  }
0x5c: {  	[tilespmem:s20], [sflag:$0x2] =	stream.indirect.gather [hbm4b:s5+s18], $0x80, s29, s18, $0xb8;
	[tilespmem:$0x1E0C0] =	vst v63  }
0x5d: {  	_ =	swait.ge [sflag:s21], $0x4000  }
0x5e: {  	[sflag:s21] =	ssyncset.done $0x0  }
0x5f: {  	s30 =	simm.s32 $0x1400;
	[sflag:s21] =	ssyncadd.s32 $0xFFFFC000  }
0x60: {  	[spmem:s1] =	stream.indirect.scatter.add.f32 [tilespmem:s19], [sflag:$0x3], $0x80, s30, s18, $0xb8;
	[tilespmem:$0x1E0C0] =	vst v63  }
0x61: {  	_ =	swait.ge [sflag:s22], $0x4000  }
0x62: {  	[sflag:s22] =	ssyncset.done $0x0  }
0x63: {  	s31 =	simm.s32 $0x1480;
	[sflag:s22] =	ssyncadd.s32 $0xFFFFC000  }
0x64: {  	[spmem:s1] =	stream.indirect.scatter.add.f32 [tilespmem:s20], [sflag:$0x4], $0x80, s31, s18, $0xb8;
	[tilespmem:$0x1E0C0] =	vst v63  }
0x65: {  	_ =	swait.ge [sflag:s23], $0x4000  }
0x66: {  	[sflag:s23] =	ssyncset.done $0x0  }
0x67: {  	[sflag:s23] =	ssyncadd.s32 $0xFFFFC000  }
0x68: {  	_ =	swait.ge [sflag:s24], $0x4000  }
0x69: {  	s26 =	simm.s32 $0x180;
	s28 =	simm.s32 $0xA00;
	[sflag:s24] =	ssyncset.done $0x0  }
.LBB2_4:
0x6a: {  	s29 =	sadd.s32 $0xFFFFFF80, s26  }
0x6b: {  	[sflag:s24] =	ssyncadd.s32 $0xFFFFC000;
	s30 =	smov.u32 s28;
	s31 =	sadd.s32 $0x400, s28  }
0x6c: {  	[tilespmem:s19], [sflag:$0x1] =	stream.indirect.gather [hbm4b:s5+s18], $0x80, s29, s18, $0xb8;
	[tilespmem:$0x1E0C0] =	vst v63  }
0x6d: {  	p1 =	sne.s32 s28, $0x4E00  }
0x6e: {  	[tilespmem:s20], [sflag:$0x2] =	stream.indirect.gather [hbm4b:s5+s18], $0x80, s26, s18, $0xb8;
	[tilespmem:$0x1E0C0] =	vst v63  }
0x6f: {  	_ =	swait.ge [sflag:s21], $0x4000  }
0x70: {  	[sflag:s21] =	ssyncset.done $0x0  }
0x71: {  	s28 =	sadd.s32 $0x1380, s26;
	[sflag:s21] =	ssyncadd.s32 $0xFFFFC000  }
0x72: {  	[spmem:s1] =	stream.indirect.scatter.add.f32 [tilespmem:s19], [sflag:$0x3], $0x80, s28, s18, $0xb8;
	[tilespmem:$0x1E0C0] =	vst v63  }
0x73: {  	_ =	swait.ge [sflag:s22], $0x4000  }
0x74: {  	[sflag:s22] =	ssyncset.done $0x0  }
0x75: {  	s26 =	sadd.s32 $0x1400, s26;
	[sflag:s22] =	ssyncadd.s32 $0xFFFFC000  }
0x76: {  	[spmem:s1] =	stream.indirect.scatter.add.f32 [tilespmem:s20], [sflag:$0x4], $0x80, s26, s18, $0xb8;
	[tilespmem:$0x1E0C0] =	vst v63  }
.Ltmp1:
0x77: {  	_ =	swait.ge [sflag:s23], $0x4000;
	(pc) =	sbr.rel @p1 .LBB2_4-.Ltmp1, $4  }
0x78: {  	[sflag:s23] =	ssyncset.done $0x0  }
0x79: {  	[sflag:s23] =	ssyncadd.s32 $0xFFFFC000  }
0x7a: {  	_ =	swait.ge [sflag:s24], $0x4000  }
0x7b: {  	s28 =	smov.u32 s31;
	s26 =	sshra.s32 s30, $0x2;
	[sflag:s24] =	ssyncset.done $0x0  }
0x7c: {  	s28 =	sadd.s32 $0xFFFFFF80, s26;
	[sflag:s24] =	ssyncadd.s32 $0xFFFFC000  }
0x7d: {  	[tilespmem:s19], [sflag:$0x1] =	stream.indirect.gather [hbm4b:s5+s18], $0x80, s28, s18, $0xb8;
	[tilespmem:$0x1E0C0] =	vst v63  }
0x7e: {  	_ = 	snop  }
0x7f: {  	[tilespmem:s20], [sflag:$0x2] =	stream.indirect.gather [hbm4b:s5+s18], $0x80, s26, s18, $0xb8;
	[tilespmem:$0x1E0C0] =	vst v63  }
0x80: {  	_ =	swait.ge [sflag:s21], $0x4000  }
0x81: {  	[sflag:s21] =	ssyncset.done $0x0  }
0x82: {  	s30 =	sadd.s32 $0x1380, s26;
	[sflag:s21] =	ssyncadd.s32 $0xFFFFC000  }
0x83: {  	[spmem:s1] =	stream.indirect.scatter.add.f32 [tilespmem:s19], [sflag:$0x3], $0x80, s30, s18, $0xb8;
	[tilespmem:$0x1E0C0] =	vst v63  }
0x84: {  	_ =	swait.ge [sflag:s22], $0x4000  }
0x85: {  	[sflag:s22] =	ssyncset.done $0x0  }
0x86: {  	s31 =	sadd.s32 $0x1400, s26;
	[sflag:s22] =	ssyncadd.s32 $0xFFFFC000  }
0x87: {  	[spmem:s1] =	stream.indirect.scatter.add.f32 [tilespmem:s20], [sflag:$0x4], $0x80, s31, s18, $0xb8;
	[tilespmem:$0x1E0C0] =	vst v63  }
0x88: {  	_ =	swait.ge [sflag:s23], $0x4000  }
0x89: {  	[sflag:s23] =	ssyncset.done $0x0  }
0x8a: {  	[sflag:s23] =	ssyncadd.s32 $0xFFFFC000  }
0x8b: {  	_ =	swait.ge [sflag:s24], $0x4000  }
0x8c: {  	[sflag:s24] =	ssyncset.done $0x0  }
0x8d: {  	[sflag:s24] =	ssyncadd.s32 $0xFFFFC000  }
0x8e: {  	s28 =	simm.s32 @p0 $0x1FC5;
	s26 =	sadd.s32 @p0 $0x25800, s8;
	[bflag:$0x0] =	sbarrier.arrive $0xFFFF  }
0x8f: {  	[hbm:s26], [sflag:s28] =	dma.local @p0 [spmem:s12], $0x1900  }
0x90: {  	s26 =	simm.s32 @p0 $0x5  }
0x91: {  	_ =	swait.ge @p0 [sflag:s26], $0x1900  }
0x92: {  	s25 =	sadd.s32 $0x1, s25;
	[sflag:s26] =	ssyncset.done @p0 $0x0  }
0x93: {  	p1 =	sne.s32 s25, s9;
	[sflag:s26] =	ssyncadd.s32 @p0 $0xFFFFE700;
	s26 =	sadd.s32 @!p0 s4, s8  }
0x94: {  	[hbm:s26], [sflag:s13] =	dma.local @!p0 [spmem:s14], $0x2800  }
.Ltmp2:
0x95: {  	_ = 	snop;
	(pc) =	sbr.rel @p1 .LBB2_1-.Ltmp2, $4  }
0x96: {  	s26 =	simm.s32 @!p0 $0x5  }
0x97: {  	_ =	swait.ge @!p0 [sflag:s26], $0x2800  }
0x98: {  	[sflag:s26] =	ssyncset.done @!p0 $0x0  }
0x99: {  	[sflag:s26] =	ssyncadd.s32 @!p0 $0xFFFFD800  }
0x9a: {  	_ =	sfence.sel $0x180000  }
0x9b: {  	[bflag:$0x0] =	sbarrier.arrive $0xFFFF  }
0x9c: {  	p0 =	sne.s32 s3, $0x0;
	_ =	strace $0x9000004A  }
0x9d: {  	s0 =	sadd.s32 @!p0 $0x100000, s0;
	[bflag:$0x2] =	sbarrier.arrive $0xFFFF  }
0x9e: {  	[sflag:s0] =	ssyncadd.tile.s32 @!p0 $0x1;
	_ =	shalt  }
.Lfunc_end2:
_tile_overlayer_lowered:
.L_overlay_start_2:
0x9f: {  	(tag) =	ssettag $0x2  }
0xa0: {  	s0 =	rddreg [dreg:$0x0];
	s2 =	stileid.u32  }
0xa1: {  	s1 =	rddreg [dreg:$0x1];
	p0 =	sne.s32 s2, $0x0  }
0xa2: {  	s3 =	rddreg [dreg:$0x2];
	[bflag:$0x3] =	sbarrier.arrive $0xFFFF;
	s2 =	simm.s32 @!p0 $0x1C05  }
0xa3: {  	[timem:s3], [sflag:s2] =	dma.local @!p0 [hbm:s0], s1  }
0xa4: {  	s0 =	simm.s32 @!p0 $0x5  }
0xa5: {  	_ =	swait.ge @!p0 [sflag:s0], s1  }
0xa6: {  	s1 =	ssub.s32 @!p0 $0x0, s1;
	[sflag:s0] =	ssyncset.done @!p0 $0x0  }
0xa7: {  	[sflag:s0] =	ssyncadd.s32 @!p0 s1  }
0xa8: {  	[bflag:$0x3] =	sbarrier.arrive $0xFFFF  }
0xa9: {  	_ =	shalt  }

// kernel: kernel.7.cloned.1.call-start
scs
__scs_entry_jumppad:
0x0: {  	(pc) =	sbr.rel $0x88, $3  }
0x1: {  	(tag) =	ssettag $0x0;
	lr =	simm.s32 $0x1  }
0x2: {  	[smem:$0x3F9D] =	sst lr;
	_ =	strace $0xD0000000  }
0x3: {  	_ = 	snop  }
0x4: {  	_ = 	snop  }
0x5: {  	_ = 	snop  }
0x6: {  	_ = 	snop  }
0x7: {  	_ = 	snop  }
__scs_overlays_trampoline_lowered:
0x8: {  	[smem:$0x3FAC] =	sst s0  }
0x9: {  	[smem:$0x3FAD] =	sst s1  }
0xa: {  	[smem:$0x3FAE] =	sst s2  }
0xb: {  	[smem:$0x3FAF] =	sst s3  }
0xc: {  	[smem:$0x3FB0] =	sst s4  }
0xd: {  	[smem:$0x3FB1] =	sst s5  }
0xe: {  	[smem:$0x3FB2] =	sst s6  }
0xf: {  	[smem:$0x3FB3] =	sst s7  }
0x10: {  	[smem:$0x3FB4] =	sst s8  }
0x11: {  	[smem:$0x3FB5] =	sst s9;
	s0 =	simm.s32 @!p0 $0x0  }
0x12: {  	s1 =	sld [smem:$0x3F9B];
	s0 =	simm.s32 @p0 $0x1  }
0x13: {  	[smem:$0x3FB6] =	sst s0;
	s0 =	simm.s32 @!p1 $0x0  }
0x14: {  	s2 =	sld [smem:$0x3F9A];
	s0 =	simm.s32 @p1 $0x1  }
0x15: {  	[smem:$0x3FB7] =	sst s0;
	s0 =	simm.s32 @!p2 $0x0  }
0x16: {  	s3 =	sld [smem:$0x3FDB];
	s0 =	simm.s32 @p2 $0x1  }
0x17: {  	s4 =	simm.s32 $0x1BF5;
	[smem:$0x3FB9] =	sst s0  }
0x18: {  	s0 =	sld [smem:$0x3F9C];
	_ =	swait.ge [sflag:s4], $0x0  }
0x19: {  	s7 =	sld [smem:$0x3F9D]  }
0x1a: {  	s8 =	sadd.s32 $0xFFFFE003, lr  }
0x1b: {  	s9 =	sadd.s32 $0xFFFFFEF7, lr;
	s5 =	simm.s32 $0xFFFFFFFF;
	p2 =	slt.u32 s8, $0xFFFFF086  }
0x1c: {  	p1 =	slt.u32 s9, $0xF7A;
	s5 =	simm.s32 @!p2 $0x0  }
0x1d: {  	s5 =	simm.s32 @p1 $0x1;
	p0 =	seq.s32 s7, s2  }
0x1e: {  	s7 =	smul.u32 @!p0 $0xF7A, s2;
	p2 =	seq.s32 @!p0 s5, $0x0  }
0x1f: {  	s9 =	smul.u32 $0xF7A, s1;
	s8 =	simm.s32 @!p0 $0x1BF5;
	p2 =	por !p2, p0  }
0x20: {  	[sflag:s8] =	ssyncset.s32 @!p0 $0xFFFFF086;
	s6 =	sadd.s32 @!p0 s3, s7;
	s7 =	simm.s32 @!p0 $0x108  }
0x21: {  	s3 =	sadd.s32 s3, s9;
	s6 =	sadd.s32 @!p0 $0x88, s6;
	s7 =	simm.s32 @p2 $0x1082  }
0x22: {  	[simem:s7], [sflag:s8] =	dma.local @!p0 [hbm:s6], $0xF7A  }
0x23: {  	s9 =	sor.u32 $0xD0000000, s2;
	s6 =	simm.s32 $0x108;
	_ =	swait.ge @!p0 [sflag:s8], $0x0  }
0x24: {  	s3 =	sadd.s32 $0x88, s3;
	s6 =	simm.s32 @!p1 $0x1082;
	[sflag:s4] =	ssyncset.s32 $0xFFFFF086  }
0x25: {  	[simem:s6], [sflag:s4] =	dma.local [hbm:s3], $0xF7A  }
0x26: {  	[smem:$0x3F9D] =	sst s1;
	(tag) =	ssettag s2;
	_ =	strace s9  }
0x27: {  	s1 =	sld [smem:$0x3FAD]  }
0x28: {  	s2 =	sld [smem:$0x3FAE]  }
0x29: {  	s4 =	sld [smem:$0x3FB0]  }
0x2a: {  	p0 =	seq.s32 s5, $0x0;
	s5 =	sld [smem:$0x3FB1]  }
0x2b: {  	s6 =	sld [smem:$0x3FB2]  }
0x2c: {  	s7 =	sld [smem:$0x3FB3]  }
0x2d: {  	s3 =	simm.s32 $0x108;
	s8 =	sld [smem:$0x3FB4]  }
0x2e: {  	s3 =	simm.s32 @!p0 $0x1082;
	s9 =	sld [smem:$0x3FB5]  }
0x2f: {  	lr =	sadd.s32 s0, s3;
	s0 =	sld [smem:$0x3FAC]  }
0x30: {  	s3 =	sld [smem:$0x3FAF]  }
0x31: {  	[smem:$0x3FB8] =	sst s10  }
0x32: {  	s10 =	sld [smem:$0x3FB6];
	_ =	sdelay $0x3  }
0x33: {  	p0 =	seq.s32 s10, $0x1;
	s10 =	sld [smem:$0x3FB8];
	_ =	sdelay $0x3  }
0x34: {  	[smem:$0x3FB8] =	sst s10  }
0x35: {  	s10 =	sld [smem:$0x3FB7];
	_ =	sdelay $0x3  }
0x36: {  	p1 =	seq.s32 s10, $0x1;
	s10 =	sld [smem:$0x3FB8];
	_ =	sdelay $0x3  }
0x37: {  	[smem:$0x3FB8] =	sst s10  }
0x38: {  	s10 =	sld [smem:$0x3FB9]  }
0x39: {  	_ = 	snop;
	(pc) =	sbr.ind lr, $3  }
0x3a: {  	_ = 	snop  }
0x3b: {  	_ = 	snop  }
0x3c: {  	p2 =	seq.s32 s10, $0x1;
	s10 =	sld [smem:$0x3FB8]  }
0x3d: {  	_ =	shalt  }
0x3e: {  	_ =	shalt  }
0x3f: {  	_ =	shalt  }
0x40: {  	_ =	shalt  }
0x41: {  	_ =	shalt  }
0x42: {  	_ =	shalt  }
0x43: {  	_ =	shalt  }
0x44: {  	_ =	shalt  }
0x45: {  	_ =	shalt  }
0x46: {  	_ =	shalt  }
0x47: {  	_ =	shalt  }
0x48: {  	_ =	shalt  }
0x49: {  	_ =	shalt  }
0x4a: {  	_ =	shalt  }
0x4b: {  	_ =	shalt  }
0x4c: {  	_ =	shalt  }
0x4d: {  	_ =	shalt  }
0x4e: {  	_ =	shalt  }
0x4f: {  	_ =	shalt  }
0x50: {  	_ =	shalt  }
0x51: {  	_ =	shalt  }
0x52: {  	_ =	shalt  }
0x53: {  	_ =	shalt  }
0x54: {  	_ =	shalt  }
0x55: {  	_ =	shalt  }
0x56: {  	_ =	shalt  }
0x57: {  	_ =	shalt  }
0x58: {  	_ =	shalt  }
0x59: {  	_ =	shalt  }
0x5a: {  	_ =	shalt  }
0x5b: {  	_ =	shalt  }
0x5c: {  	_ =	shalt  }
0x5d: {  	_ =	shalt  }
0x5e: {  	_ =	shalt  }
0x5f: {  	_ =	shalt  }
0x60: {  	_ =	shalt  }
0x61: {  	_ =	shalt  }
0x62: {  	_ =	shalt  }
0x63: {  	_ =	shalt  }
0x64: {  	_ =	shalt  }
0x65: {  	_ =	shalt  }
0x66: {  	_ =	shalt  }
0x67: {  	_ =	shalt  }
0x68: {  	_ =	shalt  }
0x69: {  	_ =	shalt  }
0x6a: {  	_ =	shalt  }
0x6b: {  	_ =	shalt  }
0x6c: {  	_ =	shalt  }
0x6d: {  	_ =	shalt  }
0x6e: {  	_ =	shalt  }
0x6f: {  	_ =	shalt  }
0x70: {  	_ =	shalt  }
0x71: {  	_ =	shalt  }
0x72: {  	_ =	shalt  }
0x73: {  	_ =	shalt  }
0x74: {  	_ =	shalt  }
0x75: {  	_ =	shalt  }
0x76: {  	_ =	shalt  }
0x77: {  	_ =	shalt  }
0x78: {  	_ =	shalt  }
0x79: {  	_ =	shalt  }
0x7a: {  	_ =	shalt  }
0x7b: {  	_ =	shalt  }
0x7c: {  	_ =	shalt  }
0x7d: {  	_ =	shalt  }
0x7e: {  	_ =	shalt  }
0x7f: {  	_ =	shalt  }
0x80: {  	_ =	shalt  }
0x81: {  	_ =	shalt  }
0x82: {  	_ =	shalt  }
0x83: {  	_ =	shalt  }
0x84: {  	_ =	shalt  }
0x85: {  	_ =	shalt  }
0x86: {  	_ =	shalt  }
0x87: {  	_ =	shalt  }
.Lfunc_end0:
.L_simem_size_0:
called_computation_lowered:
.L_overlay_start_0:
0x88: {  	s2 =	sld [smem:$0x3FD9]  }
0x89: {  	s3 =	sld [smem:$0x3FFE];
	_ =	sdelay $0x1  }
0x8a: {  	s1 =	srdreg.scid  }
0x8b: {  	s0 =	sand.u32 $0x1, s1  }
0x8c: {  	s17 =	sshll.u32 s0, $0xA;
	s2 =	sadd.s32 s3, s2  }
0x8d: {  	s2 =	sadd.s32 s2, s17  }
0x8e: {  	[smem:$0x3FC4] =	sst s2  }
0x8f: {  	_ = 	snop  }
0x90: {  	s2 =	sld [smem:$0x3FD0];
	(tm) =	ssettm $0x1  }
0x91: {  	s18 =	sld [smem:$0x3FFB];
	_ =	sdelay $0x3  }
0x92: {  	_ =	strace s18  }
0x93: {  	s3 =	sld [smem:$0x3FFC];
	_ =	sdelay $0x3  }
0x94: {  	_ =	strace s3  }
0x95: {  	s3 =	sld [smem:$0x3FFD];
	_ =	sdelay $0x3  }
0x96: {  	_ =	strace s3  }
0x97: {  	_ =	strace $0x8FFFFFFF  }
0x98: {  	s19 =	sld [smem:$0x3FDB];
	_ =	sdelay $0x1  }
0x99: {  	s4 =	simm.s32 $_scs_section_size  }
0x9a: {  	s5 =	simm.s32 $_size__tile_overlayer_lowered;
	s6 =	simm.s32 $_tile_overlayer_lowered  }
0x9b: {  	s22 =	simm.s32 $0x1BFF;
	s21 =	sshll.u32 s6, $0x1;
	s3 =	sadd.s32 s4, s19  }
0x9c: {  	s7 =	simm.s32 $0x0;
	s20 =	sshll.u32 s5, $0x1;
	s5 =	sadd.s32 s21, s3  }
0x9d: {  	[timem:s7], [sflag:s22] =	dma.local [hbm:s5], s20  }
0x9e: {  	_ =	swait.ge [sflag:s22], s20  }
0x9f: {  	s4 =	ssub.s32 $0x0, s20;
	[sflag:s22] =	ssyncset.done $0x0  }
0xa0: {  	[sflag:s22] =	ssyncadd.s32 s4;
	_ =	sdelay $0x1  }
0xa1: {  	s23 =	simm.s32 $0x1B8B  }
0xa2: {  	_ =	swait.ge [sflag:s23], $0x1  }
0xa3: {  	[sflag:s23] =	ssyncset.done $0x0  }
0xa4: {  	s25 =	simm.s32 $0x1B8E;
	s24 =	sld [smem:$0x3FFE];
	[sflag:s23] =	ssyncadd.s32 $0xFFFFFFFF  }
0xa5: {  	s26 =	simm.s32 $execute0_lowered;
	[smem:$0x3FD2] =	sst s25  }
0xa6: {  	s5 =	sshll.u32 s26, $0x1;
	_ =	strace $0x80000046;
	[dreg:$0x1] =	wrdreg $0xFFFFFFFF  }
0xa7: {  	s28 =	simm.s32 $_size_execute0_lowered;
	s3 =	sadd.s32 s3, s5;
	[dreg:$0x0] =	wrdreg $0x0  }
0xa8: {  	s5 =	sshll.u32 s28, $0x1;
	[dreg:$0x2] =	wrdreg s3  }
0xa9: {  	[dreg:$0x3] =	wrdreg s5  }
0xaa: {  	[dreg:$0x4] =	wrdreg $0xC0  }
0xab: {  	_ =	task [dreg:s7], $0x5FFFF  }
0xac: {  	[dreg:$0x1] =	wrdreg $0xFFFFFFFF  }
0xad: {  	[dreg:$0x0] =	wrdreg $0x60  }
0xae: {  	[dreg:$0x2] =	wrdreg s24  }
0xaf: {  	[dreg:$0x3] =	wrdreg s2  }
0xb0: {  	[dreg:$0x4] =	wrdreg $0x54000  }
0xb1: {  	[dreg:$0x5] =	wrdreg $0x9  }
0xb2: {  	_ =	task.clear_ibuf [dreg:s7], $0x6FFFF;
	_ =	strace $0x90000046  }
0xb3: {  	s29 =	simm.s32 $0x9;
	_ =	strace $0x80000048  }
0xb4: {  	_ =	swait.ge [sflag:s29], $0x1  }
0xb5: {  	[sflag:s29] =	ssyncadd.s32 $0xFFFFFFFF  }
0xb6: {  	_ =	strace $0x90000048  }
0xb7: {  	_ =	sfence  }
0xb8: {  	s30 =	sld [smem:$0x0];
	_ =	sdelay $0x2  }
0xb9: {  	s31 =	sshll.u32 s1, $0xD;
	s1 =	sshrl.u32 s1, $0x2  }
0xba: {  	s3 =	sand.u32 $0x4000, s31;
	s1 =	sadd.s32 s1, s30  }
0xbb: {  	s0 =	sor.u32 s3, s0;
	s1 =	sshll.u32 s1, $0x11  }
0xbc: {  	s0 =	sor.u32 s1, s0  }
0xbd: {  	s0 =	sadd.s32 $0x8F2B, s0  }
0xbe: {  	[sflag:s0] =	ssyncadd.remote.s32 $0x1  }
0xbf: {  	_ =	sfence.sel $0xFFFF  }
0xc0: {  	[dreg:$0x0] =	wrdreg $0xFFFFFFFF;
	(pc) =	sbr.abs _section_cstart, $3  }
0xc1: {  	[dreg:$0x1] =	wrdreg $0xFFFFFFFF  }
0xc2: {  	_ =	task.clear_ibuf [dreg:s7], $0x2FFFF;
	_ =	strace $0x9FFFFFFF  }
0xc3: {  	(tm) =	ssettm $0x7FFFFFFF  }
tec
execute0_lowered:
.L_overlay_start_1:
0x0: {  	(tag) =	ssettag $0x1  }
0x1: {  	s7 =	rddreg [dreg:$0x0]  }
0x2: {  	s6 =	rddreg [dreg:$0x1]  }
0x3: {  	s1 =	rddreg [dreg:$0x2]  }
0x4: {  	s0 =	rddreg [dreg:$0x3];
	s2 =	simm.s32 $0x0  }
0x5: {  	s3 =	srdreg.scid;
	s13 =	simm.s32 $0x3;
	s14 =	simm.s32 $0x80  }
0x6: {  	s15 =	simm.s32 $0x1;
	[smem:$0x7FF] =	sst s2;
	s5 =	sand.u32 $0x1, s3  }
0x7: {  	s16 =	simm.s32 $0x2;
	s3 =	stileid.u32;
	s8 =	smul.u32 $0x27100, s5  }
0x8: {  	s4 =	sadd.s32 $0xC800, s7;
	_ =	strace $0x80000047;
	s9 =	smul.u32 $0x50000, s3  }
0x9: {  	s10 =	sshll.u32 s5, $0x4;
	s5 =	ssub.s32 $0x2, s5;
	s18 =	smul.u32 $0x2800, s3  }
0xa: {  	p0 =	seq.s32 s3, $0xF;
	s10 =	sor.u32 s3, s10;
	s11 =	sshrl.u32 s5, $0x1  }
0xb: {  	s9 =	sshrl.u32 s9, $0x2;
	s10 =	smul.u32 $0x1400, s10;
	s8 =	sadd.s32 s8, s7  }
0xc: {  	s11 =	ssub.s32 s5, s11;
	s5 =	sadd.s32 s6, s18;
	s6 =	sadd.s32 $0x25800, s6  }
0xd: {  	s12 =	sadd.s32 s9, s1;
	s9 =	sadd.s32 $0x12C000, s1;
	s19 =	sadd.s32 $0xD000, s8  }
0xe: {  	s8 =	smax.u32 s11, $0x1;
	s10 =	sshrl.u32 s10, $0x3;
	s9 =	sshrl.u32 @p0 s9, $0x3  }
0xf: {  	s11 =	sshrl.u32 @!p0 s12, $0x3;
	s12 =	simm.s32 $0x1400;
	s17 =	sadd.s32 @p0 $0x25800, s19  }
0x10: {  	s18 =	sadd.s32 @!p0 s18, s19;
	s7 =	sadd.s32 s7, s10;
	s10 =	sshll.u32 @!p0 s3, $0x6  }
0x11: {  	s19 =	simm.s32 $0x0;
	s7 =	sadd.s32 $0x7800, s7;
	s10 =	sor.u32 @!p0 $0x1C03, s10  }
.LBB2_1:
0x12: {  	s20 =	simm.s32 @p0 $0x1FC3  }
0x13: {  	[spmem:s9], [sflag:s20] =	dma.local @p0 [hbm:s6], $0x1900  }
0x14: {  	s20 =	simm.s32 @p0 $0x3  }
0x15: {  	_ =	swait.ge @p0 [sflag:s20], $0x1900  }
0x16: {  	[sflag:s20] =	ssyncset.done @p0 $0x0  }
0x17: {  	[sflag:s20] =	ssyncadd.s32 @p0 $0xFFFFE700;
	s20 =	simm.s32 @!p0 $0x3  }
0x18: {  	[spmem:s11], [sflag:s10] =	dma.local @!p0 [hbm:s5], $0x2800  }
0x19: {  	_ =	swait.ge @!p0 [sflag:s20], $0x2800  }
0x1a: {  	[sflag:s20] =	ssyncset.done @!p0 $0x0  }
0x1b: {  	[sflag:s20] =	ssyncadd.s32 @!p0 $0xFFFFD800  }
0x1c: {  	[tilespmem:s12], [sflag:$0x3] =	stream.linear.gather [hbm4b:s4+s2], $0x4000, $0x38;
	[tilespmem:$0x18CC0] =	vst v63  }
0x1d: {  	_ =	swait.ge [sflag:s13], $0x4000  }
0x1e: {  	[sflag:s13] =	ssyncset.done $0x0  }
0x1f: {  	[sflag:s13] =	ssyncadd.s32 $0xFFFFC000  }
0x20: {  	[tilespmem:s2], [sflag:$0x3] =	stream.linear.gather [hbm4b:s7+s2], $0x1400, $0x38;
	[tilespmem:$0x18CC0] =	vst v63  }
0x21: {  	_ =	swait.ge [sflag:s13], $0x1400  }
0x22: {  	[sflag:s13] =	ssyncset.done $0x0  }
0x23: {  	[sflag:s13] =	ssyncadd.s32 $0xFFFFEC00  }
0x24: {  	s30 =	simm.s32 $0x0;
	[bflag:$0x0] =	sbarrier.arrive $0xFFFF  }
0x25: {  	[spmem:s1] =	stream.indirect.scatter.add.f32 [tilespmem:s12], [sflag:$0x1], $0x80, s30, s14, $0xb8;
	[tilespmem:$0x18CC0] =	vst v63  }
0x26: {  	s31 =	simm.s32 $0x80  }
0x27: {  	[spmem:s1] =	stream.indirect.scatter.add.f32 [tilespmem:s12], [sflag:$0x2], $0x80, s31, s14, $0xb8;
	[tilespmem:$0x18CC0] =	vst v63  }
0x28: {  	_ =	swait.ge [sflag:s15], $0x4000  }
0x29: {  	[sflag:s15] =	ssyncset.done $0x0  }
0x2a: {  	[sflag:s15] =	ssyncadd.s32 $0xFFFFC000  }
0x2b: {  	_ =	swait.ge [sflag:s16], $0x4000  }
0x2c: {  	s21 =	simm.s32 $0x800;
	s20 =	simm.s32 $0x400;
	[sflag:s16] =	ssyncset.done $0x0  }
.LBB2_2:
0x2d: {  	s22 =	sshra.s32 s20, $0x2  }
0x2e: {  	[sflag:s16] =	ssyncadd.s32 $0xFFFFC000;
	s20 =	smov.u32 s21;
	s23 =	sadd.s32 $0x400, s21  }
0x2f: {  	[spmem:s1] =	stream.indirect.scatter.add.f32 [tilespmem:s12], [sflag:$0x1], $0x80, s22, s14, $0xb8;
	[tilespmem:$0x18CC0] =	vst v63  }
0x30: {  	p1 =	sne.s32 s21, $0x4C00;
	s21 =	sadd.s32 $0x80, s22  }
0x31: {  	[spmem:s1] =	stream.indirect.scatter.add.f32 [tilespmem:s12], [sflag:$0x2], $0x80, s21, s14, $0xb8;
	[tilespmem:$0x18CC0] =	vst v63  }
.Ltmp0:
0x32: {  	_ =	swait.ge [sflag:s15], $0x4000;
	(pc) =	sbr.rel @p1 .LBB2_2-.Ltmp0, $4  }
0x33: {  	[sflag:s15] =	ssyncset.done $0x0  }
0x34: {  	[sflag:s15] =	ssyncadd.s32 $0xFFFFC000  }
0x35: {  	_ =	swait.ge [sflag:s16], $0x4000  }
0x36: {  	s21 =	smov.u32 s23;
	[sflag:s16] =	ssyncset.done $0x0  }
0x37: {  	s20 =	sshra.s32 s20, $0x2;
	[sflag:s16] =	ssyncadd.s32 $0xFFFFC000  }
0x38: {  	[spmem:s1] =	stream.indirect.scatter.add.f32 [tilespmem:s12], [sflag:$0x1], $0x80, s20, s14, $0xb8;
	[tilespmem:$0x18CC0] =	vst v63  }
0x39: {  	s20 =	sadd.s32 $0x80, s20  }
0x3a: {  	[spmem:s1] =	stream.indirect.scatter.add.f32 [tilespmem:s12], [sflag:$0x2], $0x80, s20, s14, $0xb8;
	[tilespmem:$0x18CC0] =	vst v63  }
0x3b: {  	_ =	swait.ge [sflag:s15], $0x4000  }
0x3c: {  	[sflag:s15] =	ssyncset.done $0x0  }
0x3d: {  	[sflag:s15] =	ssyncadd.s32 $0xFFFFC000  }
0x3e: {  	_ =	swait.ge [sflag:s16], $0x4000  }
0x3f: {  	[sflag:s16] =	ssyncset.done $0x0  }
0x40: {  	[sflag:s16] =	ssyncadd.s32 $0xFFFFC000  }
0x41: {  	s20 =	simm.s32 @p0 $0x1FC3;
	[bflag:$0x0] =	sbarrier.arrive $0xFFFF  }
0x42: {  	[hbm:s17], [sflag:s20] =	dma.local @p0 [spmem:s9], $0x1900  }
0x43: {  	s20 =	simm.s32 @p0 $0x3  }
0x44: {  	s19 =	sadd.s32 $0x1, s19;
	_ =	swait.ge @p0 [sflag:s20], $0x1900  }
0x45: {  	p1 =	sne.s32 s19, s8;
	[sflag:s20] =	ssyncset.done @p0 $0x0  }
.Ltmp1:
0x46: {  	[sflag:s20] =	ssyncadd.s32 @p0 $0xFFFFE700;
	s20 =	simm.s32 @!p0 $0x3;
	(pc) =	sbr.rel @p1 .LBB2_1-.Ltmp1, $4  }
0x47: {  	[hbm:s18], [sflag:s10] =	dma.local @!p0 [spmem:s11], $0x2800  }
0x48: {  	_ =	swait.ge @!p0 [sflag:s20], $0x2800  }
0x49: {  	[sflag:s20] =	ssyncset.done @!p0 $0x0  }
0x4a: {  	[sflag:s20] =	ssyncadd.s32 @!p0 $0xFFFFD800  }
0x4b: {  	_ =	sfence.sel $0x180000  }
0x4c: {  	[bflag:$0x0] =	sbarrier.arrive $0xFFFF  }
0x4d: {  	p0 =	sne.s32 s3, $0x0;
	_ =	strace $0x90000047  }
0x4e: {  	s0 =	sadd.s32 @!p0 $0x100000, s0;
	[bflag:$0x2] =	sbarrier.arrive $0xFFFF  }
0x4f: {  	[sflag:s0] =	ssyncadd.tile.s32 @!p0 $0x1;
	_ =	shalt  }
.Lfunc_end2:
_tile_overlayer_lowered:
.L_overlay_start_2:
0x50: {  	(tag) =	ssettag $0x2  }
0x51: {  	s0 =	rddreg [dreg:$0x0];
	s2 =	stileid.u32  }
0x52: {  	s1 =	rddreg [dreg:$0x1];
	p0 =	sne.s32 s2, $0x0  }
0x53: {  	s3 =	rddreg [dreg:$0x2];
	[bflag:$0x3] =	sbarrier.arrive $0xFFFF;
	s2 =	simm.s32 @!p0 $0x1C03  }
0x54: {  	[timem:s3], [sflag:s2] =	dma.local @!p0 [hbm:s0], s1  }
0x55: {  	s0 =	simm.s32 @!p0 $0x3  }
0x56: {  	_ =	swait.ge @!p0 [sflag:s0], s1  }
0x57: {  	s1 =	ssub.s32 @!p0 $0x0, s1;
	[sflag:s0] =	ssyncset.done @!p0 $0x0  }
0x58: {  	[sflag:s0] =	ssyncadd.s32 @!p0 s1  }
0x59: {  	[bflag:$0x3] =	sbarrier.arrive $0xFFFF  }
0x5a: {  	_ =	shalt  }

</sc_bundles>
